<compile_context>
chip_gen: v7x
topology: tpu7x:2x2x1
jax: 0.10.2.dev20260603
libtpu: 0.0.44.dev20260713+nightly
codegen_flags: <defaults>
</compile_context>

<pallas_src>
import functools

import jax
import jax.numpy as jnp
from jax import lax
from jax.experimental import pallas as pl
from jax.experimental.pallas import tpu as pltpu
from jax.experimental.pallas import tpu_sc as plsc

NBRICK = 100000
DIM = 64
BATCH = 16384

_NC = 2
_NS = 16
_L = 16
_NW = _NC * _NS
_DPW = DIM // _NW
_OCHUNK = 4096
_NOCHUNK = BATCH // _OCHUNK
_VPC = _OCHUNK // _L
_UNROLL = 8

_mesh = plsc.VectorSubcoreMesh(core_axis_name="c", subcore_axis_name="s")


@functools.partial(
    pl.kernel,
    mesh=_mesh,
    out_type=jax.ShapeDtypeStruct((DIM, BATCH), jnp.float32),
    scratch_types=[
        pltpu.VMEM((BATCH,), jnp.int32),
        pltpu.VMEM((NBRICK,), jnp.float32),
        pltpu.VMEM((2, _OCHUNK), jnp.float32),
        pltpu.SemaphoreType.DMA,
        pltpu.SemaphoreType.DMA,
        pltpu.SemaphoreType.DMA,
    ],
    compiler_params=pltpu.CompilerParams(
        use_tc_tiling_on_sc=True, needs_layout_passes=False
    ),
)
def _embed_t(x1_hbm, embt_hbm, outt_hbm, idx_v, row_v, ob, rsem, osem, xsem):
    wid = lax.axis_index("s") * _NC + lax.axis_index("c")
    d0 = wid * _DPW

    x_copy = pltpu.async_copy(x1_hbm, idx_v, xsem)
    row_copy = pltpu.async_copy(embt_hbm.at[d0], row_v, rsem)
    x_copy.wait()

    rcp = jnp.float32(1.0 / 90.0)

    @plsc.parallel_loop(0, BATCH // _L, unroll=_UNROLL)
    def _div_body(k):
        off = k * _L
        v = idx_v[pl.ds(off, _L)]
        q = (v.astype(jnp.float32) * rcp).astype(jnp.int32)
        r = v - q * 90
        idx_v[pl.ds(off, _L)] = lax.select(r >= 90, q + 1, q)

    row_copy.wait()

    outs = []
    for p in range(_DPW):
        d = d0 + p
        if p > 0:
            pltpu.sync_copy(embt_hbm.at[d], row_v)
        for c in range(_NOCHUNK):
            bsel = (p * _NOCHUNK + c) % 2
            if len(outs) >= 2:
                outs[-2].wait()

            @plsc.parallel_loop(0, _VPC, unroll=_UNROLL)
            def _gather_body(k, c=c, bsel=bsel):
                rel = k * _L
                iv = idx_v[pl.ds(c * _OCHUNK + rel, _L)]
                ob[bsel, pl.ds(rel, _L)] = plsc.load_gather(row_v, [iv])
            outs.append(
                pltpu.async_copy(
                    ob.at[bsel],
                    outt_hbm.at[d, pl.ds(c * _OCHUNK, _OCHUNK)],
                    osem,
                )
            )
    for o in outs[-2:]:
        o.wait()


def kernel(x, emb):
    x1 = x[:, 1].astype(jnp.int32)
    out_t = _embed_t(x1, emb.T)
    return out_t.T

# --- scband reference (transcript-rebuilt; emitter-appended) ---
"""Pipeline reference for scband-brick-embed-6854767804539 (READ-ONLY COPY).

The authoritative reference and input builder live on the scoring server;
editing this copy changes nothing except your own understanding.
"""

import jax, jax.numpy as jnp
import numpy as np

NUM_BRICKS = 100000
DIM = 64
BATCH = 16384

def setup_inputs(seed: int = 0) -> dict:
    key = jax.random.key(seed)
    k_x, k_emb = jax.random.split(key)
    # brick tensor: integer [B, 2]; column 1 holds rotation-like values, idx = col1 // 90
    x = jax.random.randint(k_x, (BATCH, 2), 0, NUM_BRICKS * 90, dtype=jnp.int64)
    emb = jax.random.normal(k_emb, (NUM_BRICKS, DIM), dtype=jnp.float32)
    return {"x": x, "emb": emb}

def reference(x, emb):
    # to_idx: brick[:, 1] // 90
    idx = x[:, 1] // 90
    # embedding lookup
    out = jnp.take(emb, idx, axis=0)
    return out

if __name__ == "__main__":
    import jax
    _d = setup_inputs()
    print(jax.jit(kernel)(*tuple(_d.values())))

</pallas_src>

<mosaic_0001>
#map = affine_map<(d0, d1) -> (0)>
#map1 = affine_map<(d0, d1) -> (0, 0)>
module attributes {stable_mosaic.version = 14 : i64} {
  func.func @_embed_t(%arg0: i32, %arg1: i32, %arg2: memref<16384xi32, #tpu.memory_space<hbm>>, %arg3: memref<64x100000xf32, #tpu.memory_space<hbm>>, %arg4: memref<64x16384xf32, #tpu.memory_space<hbm>>, %arg5: memref<16384xi32, #tpu.memory_space<vmem>>, %arg6: memref<100000xf32, #tpu.memory_space<vmem>>, %arg7: memref<2x4096xf32, #tpu.memory_space<vmem>>, %arg8: memref<!tpu.dma_semaphore, #tpu.memory_space<semaphore_mem>>, %arg9: memref<!tpu.dma_semaphore, #tpu.memory_space<semaphore_mem>>, %arg10: memref<!tpu.dma_semaphore, #tpu.memory_space<semaphore_mem>>) attributes {dimension_semantics = [#tpu.dimension_semantics<core_parallel>, #tpu.dimension_semantics<subcore_parallel>], iteration_bounds = array<i64: 2, 16>, scalar_prefetch = 0 : i64, scratch_operands = 6 : i64, tpu.core_type = #tpu.core_type<sc_vector_subcore>, window_params = [{transform_indices = #map}, {transform_indices = #map1}, {transform_indices = #map1}]} {
    %mul3A = arith.constant 2 : i32
    %mul3A_0 = arith.muli %arg1, %mul3A : i32
    %add3A = arith.addi %mul3A_0, %arg0 : i32
    %mul3A_1 = arith.constant 2 : i32
    %mul3A_2 = arith.muli %add3A, %mul3A_1 : i32
    tpu.enqueue_dma source(%arg2 : memref<16384xi32, #tpu.memory_space<hbm>>) target(%arg5 : memref<16384xi32, #tpu.memory_space<vmem>>) target_semaphore(%arg10 : memref<!tpu.dma_semaphore, #tpu.memory_space<semaphore_mem>>)
    %dma_start3A = arith.constant 0 : i32
    %dma_start3A_3 = tpu.memref_slice %arg3[%mul3A_2, %dma_start3A] : memref<64x100000xf32, #tpu.memory_space<hbm>> -> memref<1x100000xf32, #tpu.memory_space<hbm>>
    %dma_start3A_4 = tpu.memref_squeeze %dma_start3A_3 : memref<1x100000xf32, #tpu.memory_space<hbm>> -> memref<100000xf32, #tpu.memory_space<hbm>>
    %dma_start3A_5 = arith.constant 0 : i32
    %dma_start3A_6 = tpu.memref_slice %arg3[%mul3A_2, %dma_start3A_5] : memref<64x100000xf32, #tpu.memory_space<hbm>> -> memref<1x100000xf32, #tpu.memory_space<hbm>>
    %dma_start3A_7 = tpu.memref_squeeze %dma_start3A_6 : memref<1x100000xf32, #tpu.memory_space<hbm>> -> memref<100000xf32, #tpu.memory_space<hbm>>
    tpu.enqueue_dma source(%dma_start3A_7 : memref<100000xf32, #tpu.memory_space<hbm>>) target(%arg6 : memref<100000xf32, #tpu.memory_space<vmem>>) target_semaphore(%arg8 : memref<!tpu.dma_semaphore, #tpu.memory_space<semaphore_mem>>)
    tpu.wait_dma2 semaphore(%arg10 : memref<!tpu.dma_semaphore, #tpu.memory_space<semaphore_mem>>) src(%arg2 : memref<16384xi32, #tpu.memory_space<hbm>>) dst(%arg5 : memref<16384xi32, #tpu.memory_space<vmem>>)
    %parallel_loop3A = arith.constant 0 : i32
    %parallel_loop3A_8 = arith.constant 1024 : i32
    %parallel_loop3A_9 = arith.constant 1 : i32
    %parallel_loop3A_10 = arith.constant 0.0111111114 : f32
    scf.for %parallel_loop3A_252 = %parallel_loop3A to %parallel_loop3A_8 step %parallel_loop3A_9  : i32 {
      %parallel_loop3A_253 = arith.constant 16 : i32
      %parallel_loop3A_254 = arith.muli %parallel_loop3A_252, %parallel_loop3A_253 : i32
      %parallel_loop3A_255 = arith.index_cast %parallel_loop3A_254 : i32 to index
      %parallel_loop3A_256 = tpu.vector_load %arg5[%parallel_loop3A_255] {strides = array<i32>} : memref<16384xi32, #tpu.memory_space<vmem>>, vector<16xi32>,
      %parallel_loop3A_257 = arith.sitofp %parallel_loop3A_256 : vector<16xi32> to vector<16xf32>
      %parallel_loop3A_258 = vector.broadcast %parallel_loop3A_10 : f32 to vector<16xf32>
      %parallel_loop3A_259 = arith.mulf %parallel_loop3A_257, %parallel_loop3A_258 : vector<16xf32>
      %parallel_loop3A_260 = arith.fptosi %parallel_loop3A_259 : vector<16xf32> to vector<16xi32>
      %parallel_loop3A_261 = arith.constant 90 : i32
      %parallel_loop3A_262 = vector.broadcast %parallel_loop3A_261 : i32 to vector<16xi32>
      %parallel_loop3A_263 = arith.muli %parallel_loop3A_260, %parallel_loop3A_262 : vector<16xi32>
      %parallel_loop3A_264 = arith.subi %parallel_loop3A_256, %parallel_loop3A_263 : vector<16xi32>
      %parallel_loop3A_265 = arith.constant 90 : i32
      %parallel_loop3A_266 = vector.broadcast %parallel_loop3A_265 : i32 to vector<16xi32>
      %parallel_loop3A_267 = arith.cmpi sge, %parallel_loop3A_264, %parallel_loop3A_266 : vector<16xi32>
      %parallel_loop3A_268 = arith.constant 1 : i32
      %parallel_loop3A_269 = vector.broadcast %parallel_loop3A_268 : i32 to vector<16xi32>
      %parallel_loop3A_270 = arith.addi %parallel_loop3A_260, %parallel_loop3A_269 : vector<16xi32>
      %parallel_loop3A_271 = arith.select %parallel_loop3A_267, %parallel_loop3A_270, %parallel_loop3A_260 : vector<16xi1>, vector<16xi32>
      %parallel_loop3A_272 = arith.index_cast %parallel_loop3A_254 : i32 to index
      %parallel_loop3A_273 = tpu.vector_load %arg5[%parallel_loop3A_272] {strides = array<i32>} : memref<16384xi32, #tpu.memory_space<vmem>>, vector<16xi32>,
      tpu.vector_store %arg5[%parallel_loop3A_272], %parallel_loop3A_271 {strides = array<i32>} : memref<16384xi32, #tpu.memory_space<vmem>>, vector<16xi32>,
    } {sc.loop_unroll_factor = 8 : i64, sc.parallel_access}
    %dma_wait3A = arith.constant 0 : i32
    %dma_wait3A_11 = tpu.memref_slice %arg3[%mul3A_2, %dma_wait3A] : memref<64x100000xf32, #tpu.memory_space<hbm>> -> memref<1x100000xf32, #tpu.memory_space<hbm>>
    %dma_wait3A_12 = tpu.memref_squeeze %dma_wait3A_11 : memref<1x100000xf32, #tpu.memory_space<hbm>> -> memref<100000xf32, #tpu.memory_space<hbm>>
    %dma_wait3A_13 = arith.constant 0 : i32
    %dma_wait3A_14 = tpu.memref_slice %arg3[%mul3A_2, %dma_wait3A_13] : memref<64x100000xf32, #tpu.memory_space<hbm>> -> memref<1x100000xf32, #tpu.memory_space<hbm>>
    %dma_wait3A_15 = tpu.memref_squeeze %dma_wait3A_14 : memref<1x100000xf32, #tpu.memory_space<hbm>> -> memref<100000xf32, #tpu.memory_space<hbm>>
    tpu.wait_dma2 semaphore(%arg8 : memref<!tpu.dma_semaphore, #tpu.memory_space<semaphore_mem>>) src(%dma_wait3A_15 : memref<100000xf32, #tpu.memory_space<hbm>>) dst(%arg6 : memref<100000xf32, #tpu.memory_space<vmem>>)
    %add3A_16 = arith.constant 0 : i32
    %add3A_17 = arith.addi %mul3A_2, %add3A_16 : i32
    %parallel_loop3A_18 = arith.constant 0 : i32
    %parallel_loop3A_19 = arith.constant 256 : i32
    %parallel_loop3A_20 = arith.constant 1 : i32
    scf.for %parallel_loop3A_252 = %parallel_loop3A_18 to %parallel_loop3A_19 step %parallel_loop3A_20  : i32 {
      %parallel_loop3A_253 = arith.constant 16 : i32
      %parallel_loop3A_254 = arith.muli %parallel_loop3A_252, %parallel_loop3A_253 : i32
      %parallel_loop3A_255 = arith.constant 0 : i32
      %parallel_loop3A_256 = arith.addi %parallel_loop3A_255, %parallel_loop3A_254 : i32
      %parallel_loop3A_257 = arith.index_cast %parallel_loop3A_256 : i32 to index
      %parallel_loop3A_258 = tpu.vector_load %arg5[%parallel_loop3A_257] {strides = array<i32>} : memref<16384xi32, #tpu.memory_space<vmem>>, vector<16xi32>,
      %parallel_loop3A_259 = tpu.vector_load_idx %arg6[%parallel_loop3A_258] : memref<100000xf32, #tpu.memory_space<vmem>>[vector<16xi32>], vector<16xf32>,
      %parallel_loop3A_260 = arith.constant 0 : i32
      %parallel_loop3A_261 = arith.index_cast %parallel_loop3A_260 : i32 to index
      %parallel_loop3A_262 = arith.index_cast %parallel_loop3A_254 : i32 to index
      %parallel_loop3A_263 = tpu.vector_load %arg7[%parallel_loop3A_261, %parallel_loop3A_262] {strides = array<i32>} : memref<2x4096xf32, #tpu.memory_space<vmem>>, vector<16xf32>,
      tpu.vector_store %arg7[%parallel_loop3A_261, %parallel_loop3A_262], %parallel_loop3A_259 {strides = array<i32>} : memref<2x4096xf32, #tpu.memory_space<vmem>>, vector<16xf32>,
    } {sc.loop_unroll_factor = 8 : i64, sc.parallel_access}
    %dma_start3A_21 = arith.constant 0 : i32
    %dma_start3A_22 = arith.constant 0 : i32
    %dma_start3A_23 = tpu.memref_slice %arg7[%dma_start3A_21, %dma_start3A_22] : memref<2x4096xf32, #tpu.memory_space<vmem>> -> memref<1x4096xf32, #tpu.memory_space<vmem>>
    %dma_start3A_24 = tpu.memref_squeeze %dma_start3A_23 : memref<1x4096xf32, #tpu.memory_space<vmem>> -> memref<4096xf32, #tpu.memory_space<vmem>>
    %dma_start3A_25 = arith.constant 0 : i32
    %dma_start3A_26 = tpu.memref_slice %arg4[%add3A_17, %dma_start3A_25] : memref<64x16384xf32, #tpu.memory_space<hbm>> -> memref<1x4096xf32, #tpu.memory_space<hbm>>
    %dma_start3A_27 = tpu.memref_squeeze %dma_start3A_26 : memref<1x4096xf32, #tpu.memory_space<hbm>> -> memref<4096xf32, #tpu.memory_space<hbm>>
    %dma_start3A_28 = arith.constant 0 : i32
    %dma_start3A_29 = tpu.memref_slice %arg4[%add3A_17, %dma_start3A_28] : memref<64x16384xf32, #tpu.memory_space<hbm>> -> memref<1x4096xf32, #tpu.memory_space<hbm>>
    %dma_start3A_30 = tpu.memref_squeeze %dma_start3A_29 : memref<1x4096xf32, #tpu.memory_space<hbm>> -> memref<4096xf32, #tpu.memory_space<hbm>>
    %dma_start3A_31 = arith.constant 0 : i32
    %dma_start3A_32 = tpu.memref_slice %arg7[%dma_start3A_21, %dma_start3A_31] : memref<2x4096xf32, #tpu.memory_space<vmem>> -> memref<1x4096xf32, #tpu.memory_space<vmem>>
    %dma_start3A_33 = tpu.memref_squeeze %dma_start3A_32 : memref<1x4096xf32, #tpu.memory_space<vmem>> -> memref<4096xf32, #tpu.memory_space<vmem>>
    tpu.enqueue_dma source(%dma_start3A_33 : memref<4096xf32, #tpu.memory_space<vmem>>) target(%dma_start3A_30 : memref<4096xf32, #tpu.memory_space<hbm>>) target_semaphore(%arg9 : memref<!tpu.dma_semaphore, #tpu.memory_space<semaphore_mem>>)
    %parallel_loop3A_34 = arith.constant 0 : i32
    %parallel_loop3A_35 = arith.constant 256 : i32
    %parallel_loop3A_36 = arith.constant 1 : i32
    scf.for %parallel_loop3A_252 = %parallel_loop3A_34 to %parallel_loop3A_35 step %parallel_loop3A_36  : i32 {
      %parallel_loop3A_253 = arith.constant 16 : i32
      %parallel_loop3A_254 = arith.muli %parallel_loop3A_252, %parallel_loop3A_253 : i32
      %parallel_loop3A_255 = arith.constant 4096 : i32
      %parallel_loop3A_256 = arith.addi %parallel_loop3A_255, %parallel_loop3A_254 : i32
      %parallel_loop3A_257 = arith.index_cast %parallel_loop3A_256 : i32 to index
      %parallel_loop3A_258 = tpu.vector_load %arg5[%parallel_loop3A_257] {strides = array<i32>} : memref<16384xi32, #tpu.memory_space<vmem>>, vector<16xi32>,
      %parallel_loop3A_259 = tpu.vector_load_idx %arg6[%parallel_loop3A_258] : memref<100000xf32, #tpu.memory_space<vmem>>[vector<16xi32>], vector<16xf32>,
      %parallel_loop3A_260 = arith.constant 1 : i32
      %parallel_loop3A_261 = arith.index_cast %parallel_loop3A_260 : i32 to index
      %parallel_loop3A_262 = arith.index_cast %parallel_loop3A_254 : i32 to index
      %parallel_loop3A_263 = tpu.vector_load %arg7[%parallel_loop3A_261, %parallel_loop3A_262] {strides = array<i32>} : memref<2x4096xf32, #tpu.memory_space<vmem>>, vector<16xf32>,
      tpu.vector_store %arg7[%parallel_loop3A_261, %parallel_loop3A_262], %parallel_loop3A_259 {strides = array<i32>} : memref<2x4096xf32, #tpu.memory_space<vmem>>, vector<16xf32>,
    } {sc.loop_unroll_factor = 8 : i64, sc.parallel_access}
    %dma_start3A_37 = arith.constant 1 : i32
    %dma_start3A_38 = arith.constant 0 : i32
    %dma_start3A_39 = tpu.memref_slice %arg7[%dma_start3A_37, %dma_start3A_38] : memref<2x4096xf32, #tpu.memory_space<vmem>> -> memref<1x4096xf32, #tpu.memory_space<vmem>>
    %dma_start3A_40 = tpu.memref_squeeze %dma_start3A_39 : memref<1x4096xf32, #tpu.memory_space<vmem>> -> memref<4096xf32, #tpu.memory_space<vmem>>
    %dma_start3A_41 = arith.constant 4096 : i32
    %dma_start3A_42 = tpu.memref_slice %arg4[%add3A_17, %dma_start3A_41] : memref<64x16384xf32, #tpu.memory_space<hbm>> -> memref<1x4096xf32, #tpu.memory_space<hbm>>
    %dma_start3A_43 = tpu.memref_squeeze %dma_start3A_42 : memref<1x4096xf32, #tpu.memory_space<hbm>> -> memref<4096xf32, #tpu.memory_space<hbm>>
    %dma_start3A_44 = arith.constant 4096 : i32
    %dma_start3A_45 = tpu.memref_slice %arg4[%add3A_17, %dma_start3A_44] : memref<64x16384xf32, #tpu.memory_space<hbm>> -> memref<1x4096xf32, #tpu.memory_space<hbm>>
    %dma_start3A_46 = tpu.memref_squeeze %dma_start3A_45 : memref<1x4096xf32, #tpu.memory_space<hbm>> -> memref<4096xf32, #tpu.memory_space<hbm>>
    %dma_start3A_47 = arith.constant 0 : i32
    %dma_start3A_48 = tpu.memref_slice %arg7[%dma_start3A_37, %dma_start3A_47] : memref<2x4096xf32, #tpu.memory_space<vmem>> -> memref<1x4096xf32, #tpu.memory_space<vmem>>
    %dma_start3A_49 = tpu.memref_squeeze %dma_start3A_48 : memref<1x4096xf32, #tpu.memory_space<vmem>> -> memref<4096xf32, #tpu.memory_space<vmem>>
    tpu.enqueue_dma source(%dma_start3A_49 : memref<4096xf32, #tpu.memory_space<vmem>>) target(%dma_start3A_46 : memref<4096xf32, #tpu.memory_space<hbm>>) target_semaphore(%arg9 : memref<!tpu.dma_semaphore, #tpu.memory_space<semaphore_mem>>)
    %dma_wait3A_50 = arith.constant 0 : i32
    %dma_wait3A_51 = arith.constant 0 : i32
    %dma_wait3A_52 = tpu.memref_slice %arg7[%dma_wait3A_50, %dma_wait3A_51] : memref<2x4096xf32, #tpu.memory_space<vmem>> -> memref<1x4096xf32, #tpu.memory_space<vmem>>
    %dma_wait3A_53 = tpu.memref_squeeze %dma_wait3A_52 : memref<1x4096xf32, #tpu.memory_space<vmem>> -> memref<4096xf32, #tpu.memory_space<vmem>>
    %dma_wait3A_54 = arith.constant 0 : i32
    %dma_wait3A_55 = tpu.memref_slice %arg4[%add3A_17, %dma_wait3A_54] : memref<64x16384xf32, #tpu.memory_space<hbm>> -> memref<1x4096xf32, #tpu.memory_space<hbm>>
    %dma_wait3A_56 = tpu.memref_squeeze %dma_wait3A_55 : memref<1x4096xf32, #tpu.memory_space<hbm>> -> memref<4096xf32, #tpu.memory_space<hbm>>
    %dma_wait3A_57 = arith.constant 0 : i32
    %dma_wait3A_58 = tpu.memref_slice %arg4[%add3A_17, %dma_wait3A_57] : memref<64x16384xf32, #tpu.memory_space<hbm>> -> memref<1x4096xf32, #tpu.memory_space<hbm>>
    %dma_wait3A_59 = tpu.memref_squeeze %dma_wait3A_58 : memref<1x4096xf32, #tpu.memory_space<hbm>> -> memref<4096xf32, #tpu.memory_space<hbm>>
    %dma_wait3A_60 = arith.constant 0 : i32
    %dma_wait3A_61 = tpu.memref_slice %arg7[%dma_wait3A_50, %dma_wait3A_60] : memref<2x4096xf32, #tpu.memory_space<vmem>> -> memref<1x4096xf32, #tpu.memory_space<vmem>>
    %dma_wait3A_62 = tpu.memref_squeeze %dma_wait3A_61 : memref<1x4096xf32, #tpu.memory_space<vmem>> -> memref<4096xf32, #tpu.memory_space<vmem>>
    tpu.wait_dma2 semaphore(%arg9 : memref<!tpu.dma_semaphore, #tpu.memory_space<semaphore_mem>>) src(%dma_wait3A_62 : memref<4096xf32, #tpu.memory_space<vmem>>) dst(%dma_wait3A_59 : memref<4096xf32, #tpu.memory_space<hbm>>)
    %parallel_loop3A_63 = arith.constant 0 : i32
    %parallel_loop3A_64 = arith.constant 256 : i32
    %parallel_loop3A_65 = arith.constant 1 : i32
    scf.for %parallel_loop3A_252 = %parallel_loop3A_63 to %parallel_loop3A_64 step %parallel_loop3A_65  : i32 {
      %parallel_loop3A_253 = arith.constant 16 : i32
      %parallel_loop3A_254 = arith.muli %parallel_loop3A_252, %parallel_loop3A_253 : i32
      %parallel_loop3A_255 = arith.constant 8192 : i32
      %parallel_loop3A_256 = arith.addi %parallel_loop3A_255, %parallel_loop3A_254 : i32
      %parallel_loop3A_257 = arith.index_cast %parallel_loop3A_256 : i32 to index
      %parallel_loop3A_258 = tpu.vector_load %arg5[%parallel_loop3A_257] {strides = array<i32>} : memref<16384xi32, #tpu.memory_space<vmem>>, vector<16xi32>,
      %parallel_loop3A_259 = tpu.vector_load_idx %arg6[%parallel_loop3A_258] : memref<100000xf32, #tpu.memory_space<vmem>>[vector<16xi32>], vector<16xf32>,
      %parallel_loop3A_260 = arith.constant 0 : i32
      %parallel_loop3A_261 = arith.index_cast %parallel_loop3A_260 : i32 to index
      %parallel_loop3A_262 = arith.index_cast %parallel_loop3A_254 : i32 to index
      %parallel_loop3A_263 = tpu.vector_load %arg7[%parallel_loop3A_261, %parallel_loop3A_262] {strides = array<i32>} : memref<2x4096xf32, #tpu.memory_space<vmem>>, vector<16xf32>,
      tpu.vector_store %arg7[%parallel_loop3A_261, %parallel_loop3A_262], %parallel_loop3A_259 {strides = array<i32>} : memref<2x4096xf32, #tpu.memory_space<vmem>>, vector<16xf32>,
    } {sc.loop_unroll_factor = 8 : i64, sc.parallel_access}
    %dma_start3A_66 = arith.constant 0 : i32
    %dma_start3A_67 = arith.constant 0 : i32
    %dma_start3A_68 = tpu.memref_slice %arg7[%dma_start3A_66, %dma_start3A_67] : memref<2x4096xf32, #tpu.memory_space<vmem>> -> memref<1x4096xf32, #tpu.memory_space<vmem>>
    %dma_start3A_69 = tpu.memref_squeeze %dma_start3A_68 : memref<1x4096xf32, #tpu.memory_space<vmem>> -> memref<4096xf32, #tpu.memory_space<vmem>>
    %dma_start3A_70 = arith.constant 8192 : i32
    %dma_start3A_71 = tpu.memref_slice %arg4[%add3A_17, %dma_start3A_70] : memref<64x16384xf32, #tpu.memory_space<hbm>> -> memref<1x4096xf32, #tpu.memory_space<hbm>>
    %dma_start3A_72 = tpu.memref_squeeze %dma_start3A_71 : memref<1x4096xf32, #tpu.memory_space<hbm>> -> memref<4096xf32, #tpu.memory_space<hbm>>
    %dma_start3A_73 = arith.constant 8192 : i32
    %dma_start3A_74 = tpu.memref_slice %arg4[%add3A_17, %dma_start3A_73] : memref<64x16384xf32, #tpu.memory_space<hbm>> -> memref<1x4096xf32, #tpu.memory_space<hbm>>
    %dma_start3A_75 = tpu.memref_squeeze %dma_start3A_74 : memref<1x4096xf32, #tpu.memory_space<hbm>> -> memref<4096xf32, #tpu.memory_space<hbm>>
    %dma_start3A_76 = arith.constant 0 : i32
    %dma_start3A_77 = tpu.memref_slice %arg7[%dma_start3A_66, %dma_start3A_76] : memref<2x4096xf32, #tpu.memory_space<vmem>> -> memref<1x4096xf32, #tpu.memory_space<vmem>>
    %dma_start3A_78 = tpu.memref_squeeze %dma_start3A_77 : memref<1x4096xf32, #tpu.memory_space<vmem>> -> memref<4096xf32, #tpu.memory_space<vmem>>
    tpu.enqueue_dma source(%dma_start3A_78 : memref<4096xf32, #tpu.memory_space<vmem>>) target(%dma_start3A_75 : memref<4096xf32, #tpu.memory_space<hbm>>) target_semaphore(%arg9 : memref<!tpu.dma_semaphore, #tpu.memory_space<semaphore_mem>>)
    %dma_wait3A_79 = arith.constant 1 : i32
    %dma_wait3A_80 = arith.constant 0 : i32
    %dma_wait3A_81 = tpu.memref_slice %arg7[%dma_wait3A_79, %dma_wait3A_80] : memref<2x4096xf32, #tpu.memory_space<vmem>> -> memref<1x4096xf32, #tpu.memory_space<vmem>>
    %dma_wait3A_82 = tpu.memref_squeeze %dma_wait3A_81 : memref<1x4096xf32, #tpu.memory_space<vmem>> -> memref<4096xf32, #tpu.memory_space<vmem>>
    %dma_wait3A_83 = arith.constant 4096 : i32
    %dma_wait3A_84 = tpu.memref_slice %arg4[%add3A_17, %dma_wait3A_83] : memref<64x16384xf32, #tpu.memory_space<hbm>> -> memref<1x4096xf32, #tpu.memory_space<hbm>>
    %dma_wait3A_85 = tpu.memref_squeeze %dma_wait3A_84 : memref<1x4096xf32, #tpu.memory_space<hbm>> -> memref<4096xf32, #tpu.memory_space<hbm>>
    %dma_wait3A_86 = arith.constant 4096 : i32
    %dma_wait3A_87 = tpu.memref_slice %arg4[%add3A_17, %dma_wait3A_86] : memref<64x16384xf32, #tpu.memory_space<hbm>> -> memref<1x4096xf32, #tpu.memory_space<hbm>>
    %dma_wait3A_88 = tpu.memref_squeeze %dma_wait3A_87 : memref<1x4096xf32, #tpu.memory_space<hbm>> -> memref<4096xf32, #tpu.memory_space<hbm>>
    %dma_wait3A_89 = arith.constant 0 : i32
    %dma_wait3A_90 = tpu.memref_slice %arg7[%dma_wait3A_79, %dma_wait3A_89] : memref<2x4096xf32, #tpu.memory_space<vmem>> -> memref<1x4096xf32, #tpu.memory_space<vmem>>
    %dma_wait3A_91 = tpu.memref_squeeze %dma_wait3A_90 : memref<1x4096xf32, #tpu.memory_space<vmem>> -> memref<4096xf32, #tpu.memory_space<vmem>>
    tpu.wait_dma2 semaphore(%arg9 : memref<!tpu.dma_semaphore, #tpu.memory_space<semaphore_mem>>) src(%dma_wait3A_91 : memref<4096xf32, #tpu.memory_space<vmem>>) dst(%dma_wait3A_88 : memref<4096xf32, #tpu.memory_space<hbm>>)
    %parallel_loop3A_92 = arith.constant 0 : i32
    %parallel_loop3A_93 = arith.constant 256 : i32
    %parallel_loop3A_94 = arith.constant 1 : i32
    scf.for %parallel_loop3A_252 = %parallel_loop3A_92 to %parallel_loop3A_93 step %parallel_loop3A_94  : i32 {
      %parallel_loop3A_253 = arith.constant 16 : i32
      %parallel_loop3A_254 = arith.muli %parallel_loop3A_252, %parallel_loop3A_253 : i32
      %parallel_loop3A_255 = arith.constant 12288 : i32
      %parallel_loop3A_256 = arith.addi %parallel_loop3A_255, %parallel_loop3A_254 : i32
      %parallel_loop3A_257 = arith.index_cast %parallel_loop3A_256 : i32 to index
      %parallel_loop3A_258 = tpu.vector_load %arg5[%parallel_loop3A_257] {strides = array<i32>} : memref<16384xi32, #tpu.memory_space<vmem>>, vector<16xi32>,
      %parallel_loop3A_259 = tpu.vector_load_idx %arg6[%parallel_loop3A_258] : memref<100000xf32, #tpu.memory_space<vmem>>[vector<16xi32>], vector<16xf32>,
      %parallel_loop3A_260 = arith.constant 1 : i32
      %parallel_loop3A_261 = arith.index_cast %parallel_loop3A_260 : i32 to index
      %parallel_loop3A_262 = arith.index_cast %parallel_loop3A_254 : i32 to index
      %parallel_loop3A_263 = tpu.vector_load %arg7[%parallel_loop3A_261, %parallel_loop3A_262] {strides = array<i32>} : memref<2x4096xf32, #tpu.memory_space<vmem>>, vector<16xf32>,
      tpu.vector_store %arg7[%parallel_loop3A_261, %parallel_loop3A_262], %parallel_loop3A_259 {strides = array<i32>} : memref<2x4096xf32, #tpu.memory_space<vmem>>, vector<16xf32>,
    } {sc.loop_unroll_factor = 8 : i64, sc.parallel_access}
    %dma_start3A_95 = arith.constant 1 : i32
    %dma_start3A_96 = arith.constant 0 : i32
    %dma_start3A_97 = tpu.memref_slice %arg7[%dma_start3A_95, %dma_start3A_96] : memref<2x4096xf32, #tpu.memory_space<vmem>> -> memref<1x4096xf32, #tpu.memory_space<vmem>>
    %dma_start3A_98 = tpu.memref_squeeze %dma_start3A_97 : memref<1x4096xf32, #tpu.memory_space<vmem>> -> memref<4096xf32, #tpu.memory_space<vmem>>
    %dma_start3A_99 = arith.constant 12288 : i32
    %dma_start3A_100 = tpu.memref_slice %arg4[%add3A_17, %dma_start3A_99] : memref<64x16384xf32, #tpu.memory_space<hbm>> -> memref<1x4096xf32, #tpu.memory_space<hbm>>
    %dma_start3A_101 = tpu.memref_squeeze %dma_start3A_100 : memref<1x4096xf32, #tpu.memory_space<hbm>> -> memref<4096xf32, #tpu.memory_space<hbm>>
    %dma_start3A_102 = arith.constant 12288 : i32
    %dma_start3A_103 = tpu.memref_slice %arg4[%add3A_17, %dma_start3A_102] : memref<64x16384xf32, #tpu.memory_space<hbm>> -> memref<1x4096xf32, #tpu.memory_space<hbm>>
    %dma_start3A_104 = tpu.memref_squeeze %dma_start3A_103 : memref<1x4096xf32, #tpu.memory_space<hbm>> -> memref<4096xf32, #tpu.memory_space<hbm>>
    %dma_start3A_105 = arith.constant 0 : i32
    %dma_start3A_106 = tpu.memref_slice %arg7[%dma_start3A_95, %dma_start3A_105] : memref<2x4096xf32, #tpu.memory_space<vmem>> -> memref<1x4096xf32, #tpu.memory_space<vmem>>
    %dma_start3A_107 = tpu.memref_squeeze %dma_start3A_106 : memref<1x4096xf32, #tpu.memory_space<vmem>> -> memref<4096xf32, #tpu.memory_space<vmem>>
    tpu.enqueue_dma source(%dma_start3A_107 : memref<4096xf32, #tpu.memory_space<vmem>>) target(%dma_start3A_104 : memref<4096xf32, #tpu.memory_space<hbm>>) target_semaphore(%arg9 : memref<!tpu.dma_semaphore, #tpu.memory_space<semaphore_mem>>)
    %add3A_108 = arith.constant 1 : i32
    %add3A_109 = arith.addi %mul3A_2, %add3A_108 : i32
    "tpu.region"() ({
      %run_scoped3A = tpu.sem_alloc : memref<!tpu.dma_semaphore, #tpu.memory_space<semaphore_mem>>
      %dma_start3A_252 = arith.constant 0 : i32
      %dma_start3A_253 = tpu.memref_slice %arg3[%add3A_109, %dma_start3A_252] : memref<64x100000xf32, #tpu.memory_space<hbm>> -> memref<1x100000xf32, #tpu.memory_space<hbm>>
      %dma_start3A_254 = tpu.memref_squeeze %dma_start3A_253 : memref<1x100000xf32, #tpu.memory_space<hbm>> -> memref<100000xf32, #tpu.memory_space<hbm>>
      %dma_start3A_255 = arith.constant 0 : i32
      %dma_start3A_256 = tpu.memref_slice %arg3[%add3A_109, %dma_start3A_255] : memref<64x100000xf32, #tpu.memory_space<hbm>> -> memref<1x100000xf32, #tpu.memory_space<hbm>>
      %dma_start3A_257 = tpu.memref_squeeze %dma_start3A_256 : memref<1x100000xf32, #tpu.memory_space<hbm>> -> memref<100000xf32, #tpu.memory_space<hbm>>
      tpu.enqueue_dma source(%dma_start3A_257 : memref<100000xf32, #tpu.memory_space<hbm>>) target(%arg6 : memref<100000xf32, #tpu.memory_space<vmem>>) target_semaphore(%run_scoped3A : memref<!tpu.dma_semaphore, #tpu.memory_space<semaphore_mem>>)
      %dma_wait3A_258 = arith.constant 0 : i32
      %dma_wait3A_259 = tpu.memref_slice %arg3[%add3A_109, %dma_wait3A_258] : memref<64x100000xf32, #tpu.memory_space<hbm>> -> memref<1x100000xf32, #tpu.memory_space<hbm>>
      %dma_wait3A_260 = tpu.memref_squeeze %dma_wait3A_259 : memref<1x100000xf32, #tpu.memory_space<hbm>> -> memref<100000xf32, #tpu.memory_space<hbm>>
      %dma_wait3A_261 = arith.constant 0 : i32
      %dma_wait3A_262 = tpu.memref_slice %arg3[%add3A_109, %dma_wait3A_261] : memref<64x100000xf32, #tpu.memory_space<hbm>> -> memref<1x100000xf32, #tpu.memory_space<hbm>>
      %dma_wait3A_263 = tpu.memref_squeeze %dma_wait3A_262 : memref<1x100000xf32, #tpu.memory_space<hbm>> -> memref<100000xf32, #tpu.memory_space<hbm>>
      tpu.wait_dma2 semaphore(%run_scoped3A : memref<!tpu.dma_semaphore, #tpu.memory_space<semaphore_mem>>) src(%dma_wait3A_263 : memref<100000xf32, #tpu.memory_space<hbm>>) dst(%arg6 : memref<100000xf32, #tpu.memory_space<vmem>>)
      tpu.yield
    }) : () -> ()
    %dma_wait3A_110 = arith.constant 0 : i32
    %dma_wait3A_111 = arith.constant 0 : i32
    %dma_wait3A_112 = tpu.memref_slice %arg7[%dma_wait3A_110, %dma_wait3A_111] : memref<2x4096xf32, #tpu.memory_space<vmem>> -> memref<1x4096xf32, #tpu.memory_space<vmem>>
    %dma_wait3A_113 = tpu.memref_squeeze %dma_wait3A_112 : memref<1x4096xf32, #tpu.memory_space<vmem>> -> memref<4096xf32, #tpu.memory_space<vmem>>
    %dma_wait3A_114 = arith.constant 8192 : i32
    %dma_wait3A_115 = tpu.memref_slice %arg4[%add3A_17, %dma_wait3A_114] : memref<64x16384xf32, #tpu.memory_space<hbm>> -> memref<1x4096xf32, #tpu.memory_space<hbm>>
    %dma_wait3A_116 = tpu.memref_squeeze %dma_wait3A_115 : memref<1x4096xf32, #tpu.memory_space<hbm>> -> memref<4096xf32, #tpu.memory_space<hbm>>
    %dma_wait3A_117 = arith.constant 8192 : i32
    %dma_wait3A_118 = tpu.memref_slice %arg4[%add3A_17, %dma_wait3A_117] : memref<64x16384xf32, #tpu.memory_space<hbm>> -> memref<1x4096xf32, #tpu.memory_space<hbm>>
    %dma_wait3A_119 = tpu.memref_squeeze %dma_wait3A_118 : memref<1x4096xf32, #tpu.memory_space<hbm>> -> memref<4096xf32, #tpu.memory_space<hbm>>
    %dma_wait3A_120 = arith.constant 0 : i32
    %dma_wait3A_121 = tpu.memref_slice %arg7[%dma_wait3A_110, %dma_wait3A_120] : memref<2x4096xf32, #tpu.memory_space<vmem>> -> memref<1x4096xf32, #tpu.memory_space<vmem>>
    %dma_wait3A_122 = tpu.memref_squeeze %dma_wait3A_121 : memref<1x4096xf32, #tpu.memory_space<vmem>> -> memref<4096xf32, #tpu.memory_space<vmem>>
    tpu.wait_dma2 semaphore(%arg9 : memref<!tpu.dma_semaphore, #tpu.memory_space<semaphore_mem>>) src(%dma_wait3A_122 : memref<4096xf32, #tpu.memory_space<vmem>>) dst(%dma_wait3A_119 : memref<4096xf32, #tpu.memory_space<hbm>>)
    %parallel_loop3A_123 = arith.constant 0 : i32
    %parallel_loop3A_124 = arith.constant 256 : i32
    %parallel_loop3A_125 = arith.constant 1 : i32
    scf.for %parallel_loop3A_252 = %parallel_loop3A_123 to %parallel_loop3A_124 step %parallel_loop3A_125  : i32 {
      %parallel_loop3A_253 = arith.constant 16 : i32
      %parallel_loop3A_254 = arith.muli %parallel_loop3A_252, %parallel_loop3A_253 : i32
      %parallel_loop3A_255 = arith.constant 0 : i32
      %parallel_loop3A_256 = arith.addi %parallel_loop3A_255, %parallel_loop3A_254 : i32
      %parallel_loop3A_257 = arith.index_cast %parallel_loop3A_256 : i32 to index
      %parallel_loop3A_258 = tpu.vector_load %arg5[%parallel_loop3A_257] {strides = array<i32>} : memref<16384xi32, #tpu.memory_space<vmem>>, vector<16xi32>,
      %parallel_loop3A_259 = tpu.vector_load_idx %arg6[%parallel_loop3A_258] : memref<100000xf32, #tpu.memory_space<vmem>>[vector<16xi32>], vector<16xf32>,
      %parallel_loop3A_260 = arith.constant 0 : i32
      %parallel_loop3A_261 = arith.index_cast %parallel_loop3A_260 : i32 to index
      %parallel_loop3A_262 = arith.index_cast %parallel_loop3A_254 : i32 to index
      %parallel_loop3A_263 = tpu.vector_load %arg7[%parallel_loop3A_261, %parallel_loop3A_262] {strides = array<i32>} : memref<2x4096xf32, #tpu.memory_space<vmem>>, vector<16xf32>,
      tpu.vector_store %arg7[%parallel_loop3A_261, %parallel_loop3A_262], %parallel_loop3A_259 {strides = array<i32>} : memref<2x4096xf32, #tpu.memory_space<vmem>>, vector<16xf32>,
    } {sc.loop_unroll_factor = 8 : i64, sc.parallel_access}
    %dma_start3A_126 = arith.constant 0 : i32
    %dma_start3A_127 = arith.constant 0 : i32
    %dma_start3A_128 = tpu.memref_slice %arg7[%dma_start3A_126, %dma_start3A_127] : memref<2x4096xf32, #tpu.memory_space<vmem>> -> memref<1x4096xf32, #tpu.memory_space<vmem>>
    %dma_start3A_129 = tpu.memref_squeeze %dma_start3A_128 : memref<1x4096xf32, #tpu.memory_space<vmem>> -> memref<4096xf32, #tpu.memory_space<vmem>>
    %dma_start3A_130 = arith.constant 0 : i32
    %dma_start3A_131 = tpu.memref_slice %arg4[%add3A_109, %dma_start3A_130] : memref<64x16384xf32, #tpu.memory_space<hbm>> -> memref<1x4096xf32, #tpu.memory_space<hbm>>
    %dma_start3A_132 = tpu.memref_squeeze %dma_start3A_131 : memref<1x4096xf32, #tpu.memory_space<hbm>> -> memref<4096xf32, #tpu.memory_space<hbm>>
    %dma_start3A_133 = arith.constant 0 : i32
    %dma_start3A_134 = tpu.memref_slice %arg4[%add3A_109, %dma_start3A_133] : memref<64x16384xf32, #tpu.memory_space<hbm>> -> memref<1x4096xf32, #tpu.memory_space<hbm>>
    %dma_start3A_135 = tpu.memref_squeeze %dma_start3A_134 : memref<1x4096xf32, #tpu.memory_space<hbm>> -> memref<4096xf32, #tpu.memory_space<hbm>>
    %dma_start3A_136 = arith.constant 0 : i32
    %dma_start3A_137 = tpu.memref_slice %arg7[%dma_start3A_126, %dma_start3A_136] : memref<2x4096xf32, #tpu.memory_space<vmem>> -> memref<1x4096xf32, #tpu.memory_space<vmem>>
    %dma_start3A_138 = tpu.memref_squeeze %dma_start3A_137 : memref<1x4096xf32, #tpu.memory_space<vmem>> -> memref<4096xf32, #tpu.memory_space<vmem>>
    tpu.enqueue_dma source(%dma_start3A_138 : memref<4096xf32, #tpu.memory_space<vmem>>) target(%dma_start3A_135 : memref<4096xf32, #tpu.memory_space<hbm>>) target_semaphore(%arg9 : memref<!tpu.dma_semaphore, #tpu.memory_space<semaphore_mem>>)
    %dma_wait3A_139 = arith.constant 1 : i32
    %dma_wait3A_140 = arith.constant 0 : i32
    %dma_wait3A_141 = tpu.memref_slice %arg7[%dma_wait3A_139, %dma_wait3A_140] : memref<2x4096xf32, #tpu.memory_space<vmem>> -> memref<1x4096xf32, #tpu.memory_space<vmem>>
    %dma_wait3A_142 = tpu.memref_squeeze %dma_wait3A_141 : memref<1x4096xf32, #tpu.memory_space<vmem>> -> memref<4096xf32, #tpu.memory_space<vmem>>
    %dma_wait3A_143 = arith.constant 12288 : i32
    %dma_wait3A_144 = tpu.memref_slice %arg4[%add3A_17, %dma_wait3A_143] : memref<64x16384xf32, #tpu.memory_space<hbm>> -> memref<1x4096xf32, #tpu.memory_space<hbm>>
    %dma_wait3A_145 = tpu.memref_squeeze %dma_wait3A_144 : memref<1x4096xf32, #tpu.memory_space<hbm>> -> memref<4096xf32, #tpu.memory_space<hbm>>
    %dma_wait3A_146 = arith.constant 12288 : i32
    %dma_wait3A_147 = tpu.memref_slice %arg4[%add3A_17, %dma_wait3A_146] : memref<64x16384xf32, #tpu.memory_space<hbm>> -> memref<1x4096xf32, #tpu.memory_space<hbm>>
    %dma_wait3A_148 = tpu.memref_squeeze %dma_wait3A_147 : memref<1x4096xf32, #tpu.memory_space<hbm>> -> memref<4096xf32, #tpu.memory_space<hbm>>
    %dma_wait3A_149 = arith.constant 0 : i32
    %dma_wait3A_150 = tpu.memref_slice %arg7[%dma_wait3A_139, %dma_wait3A_149] : memref<2x4096xf32, #tpu.memory_space<vmem>> -> memref<1x4096xf32, #tpu.memory_space<vmem>>
    %dma_wait3A_151 = tpu.memref_squeeze %dma_wait3A_150 : memref<1x4096xf32, #tpu.memory_space<vmem>> -> memref<4096xf32, #tpu.memory_space<vmem>>
    tpu.wait_dma2 semaphore(%arg9 : memref<!tpu.dma_semaphore, #tpu.memory_space<semaphore_mem>>) src(%dma_wait3A_151 : memref<4096xf32, #tpu.memory_space<vmem>>) dst(%dma_wait3A_148 : memref<4096xf32, #tpu.memory_space<hbm>>)
    %parallel_loop3A_152 = arith.constant 0 : i32
    %parallel_loop3A_153 = arith.constant 256 : i32
    %parallel_loop3A_154 = arith.constant 1 : i32
    scf.for %parallel_loop3A_252 = %parallel_loop3A_152 to %parallel_loop3A_153 step %parallel_loop3A_154  : i32 {
      %parallel_loop3A_253 = arith.constant 16 : i32
      %parallel_loop3A_254 = arith.muli %parallel_loop3A_252, %parallel_loop3A_253 : i32
      %parallel_loop3A_255 = arith.constant 4096 : i32
      %parallel_loop3A_256 = arith.addi %parallel_loop3A_255, %parallel_loop3A_254 : i32
      %parallel_loop3A_257 = arith.index_cast %parallel_loop3A_256 : i32 to index
      %parallel_loop3A_258 = tpu.vector_load %arg5[%parallel_loop3A_257] {strides = array<i32>} : memref<16384xi32, #tpu.memory_space<vmem>>, vector<16xi32>,
      %parallel_loop3A_259 = tpu.vector_load_idx %arg6[%parallel_loop3A_258] : memref<100000xf32, #tpu.memory_space<vmem>>[vector<16xi32>], vector<16xf32>,
      %parallel_loop3A_260 = arith.constant 1 : i32
      %parallel_loop3A_261 = arith.index_cast %parallel_loop3A_260 : i32 to index
      %parallel_loop3A_262 = arith.index_cast %parallel_loop3A_254 : i32 to index
      %parallel_loop3A_263 = tpu.vector_load %arg7[%parallel_loop3A_261, %parallel_loop3A_262] {strides = array<i32>} : memref<2x4096xf32, #tpu.memory_space<vmem>>, vector<16xf32>,
      tpu.vector_store %arg7[%parallel_loop3A_261, %parallel_loop3A_262], %parallel_loop3A_259 {strides = array<i32>} : memref<2x4096xf32, #tpu.memory_space<vmem>>, vector<16xf32>,
    } {sc.loop_unroll_factor = 8 : i64, sc.parallel_access}
    %dma_start3A_155 = arith.constant 1 : i32
    %dma_start3A_156 = arith.constant 0 : i32
    %dma_start3A_157 = tpu.memref_slice %arg7[%dma_start3A_155, %dma_start3A_156] : memref<2x4096xf32, #tpu.memory_space<vmem>> -> memref<1x4096xf32, #tpu.memory_space<vmem>>
    %dma_start3A_158 = tpu.memref_squeeze %dma_start3A_157 : memref<1x4096xf32, #tpu.memory_space<vmem>> -> memref<4096xf32, #tpu.memory_space<vmem>>
    %dma_start3A_159 = arith.constant 4096 : i32
    %dma_start3A_160 = tpu.memref_slice %arg4[%add3A_109, %dma_start3A_159] : memref<64x16384xf32, #tpu.memory_space<hbm>> -> memref<1x4096xf32, #tpu.memory_space<hbm>>
    %dma_start3A_161 = tpu.memref_squeeze %dma_start3A_160 : memref<1x4096xf32, #tpu.memory_space<hbm>> -> memref<4096xf32, #tpu.memory_space<hbm>>
    %dma_start3A_162 = arith.constant 4096 : i32
    %dma_start3A_163 = tpu.memref_slice %arg4[%add3A_109, %dma_start3A_162] : memref<64x16384xf32, #tpu.memory_space<hbm>> -> memref<1x4096xf32, #tpu.memory_space<hbm>>
    %dma_start3A_164 = tpu.memref_squeeze %dma_start3A_163 : memref<1x4096xf32, #tpu.memory_space<hbm>> -> memref<4096xf32, #tpu.memory_space<hbm>>
    %dma_start3A_165 = arith.constant 0 : i32
    %dma_start3A_166 = tpu.memref_slice %arg7[%dma_start3A_155, %dma_start3A_165] : memref<2x4096xf32, #tpu.memory_space<vmem>> -> memref<1x4096xf32, #tpu.memory_space<vmem>>
    %dma_start3A_167 = tpu.memref_squeeze %dma_start3A_166 : memref<1x4096xf32, #tpu.memory_space<vmem>> -> memref<4096xf32, #tpu.memory_space<vmem>>
    tpu.enqueue_dma source(%dma_start3A_167 : memref<4096xf32, #tpu.memory_space<vmem>>) target(%dma_start3A_164 : memref<4096xf32, #tpu.memory_space<hbm>>) target_semaphore(%arg9 : memref<!tpu.dma_semaphore, #tpu.memory_space<semaphore_mem>>)
    %dma_wait3A_168 = arith.constant 0 : i32
    %dma_wait3A_169 = arith.constant 0 : i32
    %dma_wait3A_170 = tpu.memref_slice %arg7[%dma_wait3A_168, %dma_wait3A_169] : memref<2x4096xf32, #tpu.memory_space<vmem>> -> memref<1x4096xf32, #tpu.memory_space<vmem>>
    %dma_wait3A_171 = tpu.memref_squeeze %dma_wait3A_170 : memref<1x4096xf32, #tpu.memory_space<vmem>> -> memref<4096xf32, #tpu.memory_space<vmem>>
    %dma_wait3A_172 = arith.constant 0 : i32
    %dma_wait3A_173 = tpu.memref_slice %arg4[%add3A_109, %dma_wait3A_172] : memref<64x16384xf32, #tpu.memory_space<hbm>> -> memref<1x4096xf32, #tpu.memory_space<hbm>>
    %dma_wait3A_174 = tpu.memref_squeeze %dma_wait3A_173 : memref<1x4096xf32, #tpu.memory_space<hbm>> -> memref<4096xf32, #tpu.memory_space<hbm>>
    %dma_wait3A_175 = arith.constant 0 : i32
    %dma_wait3A_176 = tpu.memref_slice %arg4[%add3A_109, %dma_wait3A_175] : memref<64x16384xf32, #tpu.memory_space<hbm>> -> memref<1x4096xf32, #tpu.memory_space<hbm>>
    %dma_wait3A_177 = tpu.memref_squeeze %dma_wait3A_176 : memref<1x4096xf32, #tpu.memory_space<hbm>> -> memref<4096xf32, #tpu.memory_space<hbm>>
    %dma_wait3A_178 = arith.constant 0 : i32
    %dma_wait3A_179 = tpu.memref_slice %arg7[%dma_wait3A_168, %dma_wait3A_178] : memref<2x4096xf32, #tpu.memory_space<vmem>> -> memref<1x4096xf32, #tpu.memory_space<vmem>>
    %dma_wait3A_180 = tpu.memref_squeeze %dma_wait3A_179 : memref<1x4096xf32, #tpu.memory_space<vmem>> -> memref<4096xf32, #tpu.memory_space<vmem>>
    tpu.wait_dma2 semaphore(%arg9 : memref<!tpu.dma_semaphore, #tpu.memory_space<semaphore_mem>>) src(%dma_wait3A_180 : memref<4096xf32, #tpu.memory_space<vmem>>) dst(%dma_wait3A_177 : memref<4096xf32, #tpu.memory_space<hbm>>)
    %parallel_loop3A_181 = arith.constant 0 : i32
    %parallel_loop3A_182 = arith.constant 256 : i32
    %parallel_loop3A_183 = arith.constant 1 : i32
    scf.for %parallel_loop3A_252 = %parallel_loop3A_181 to %parallel_loop3A_182 step %parallel_loop3A_183  : i32 {
      %parallel_loop3A_253 = arith.constant 16 : i32
      %parallel_loop3A_254 = arith.muli %parallel_loop3A_252, %parallel_loop3A_253 : i32
      %parallel_loop3A_255 = arith.constant 8192 : i32
      %parallel_loop3A_256 = arith.addi %parallel_loop3A_255, %parallel_loop3A_254 : i32
      %parallel_loop3A_257 = arith.index_cast %parallel_loop3A_256 : i32 to index
      %parallel_loop3A_258 = tpu.vector_load %arg5[%parallel_loop3A_257] {strides = array<i32>} : memref<16384xi32, #tpu.memory_space<vmem>>, vector<16xi32>,
      %parallel_loop3A_259 = tpu.vector_load_idx %arg6[%parallel_loop3A_258] : memref<100000xf32, #tpu.memory_space<vmem>>[vector<16xi32>], vector<16xf32>,
      %parallel_loop3A_260 = arith.constant 0 : i32
      %parallel_loop3A_261 = arith.index_cast %parallel_loop3A_260 : i32 to index
      %parallel_loop3A_262 = arith.index_cast %parallel_loop3A_254 : i32 to index
      %parallel_loop3A_263 = tpu.vector_load %arg7[%parallel_loop3A_261, %parallel_loop3A_262] {strides = array<i32>} : memref<2x4096xf32, #tpu.memory_space<vmem>>, vector<16xf32>,
      tpu.vector_store %arg7[%parallel_loop3A_261, %parallel_loop3A_262], %parallel_loop3A_259 {strides = array<i32>} : memref<2x4096xf32, #tpu.memory_space<vmem>>, vector<16xf32>,
    } {sc.loop_unroll_factor = 8 : i64, sc.parallel_access}
    %dma_start3A_184 = arith.constant 0 : i32
    %dma_start3A_185 = arith.constant 0 : i32
    %dma_start3A_186 = tpu.memref_slice %arg7[%dma_start3A_184, %dma_start3A_185] : memref<2x4096xf32, #tpu.memory_space<vmem>> -> memref<1x4096xf32, #tpu.memory_space<vmem>>
    %dma_start3A_187 = tpu.memref_squeeze %dma_start3A_186 : memref<1x4096xf32, #tpu.memory_space<vmem>> -> memref<4096xf32, #tpu.memory_space<vmem>>
    %dma_start3A_188 = arith.constant 8192 : i32
    %dma_start3A_189 = tpu.memref_slice %arg4[%add3A_109, %dma_start3A_188] : memref<64x16384xf32, #tpu.memory_space<hbm>> -> memref<1x4096xf32, #tpu.memory_space<hbm>>
    %dma_start3A_190 = tpu.memref_squeeze %dma_start3A_189 : memref<1x4096xf32, #tpu.memory_space<hbm>> -> memref<4096xf32, #tpu.memory_space<hbm>>
    %dma_start3A_191 = arith.constant 8192 : i32
    %dma_start3A_192 = tpu.memref_slice %arg4[%add3A_109, %dma_start3A_191] : memref<64x16384xf32, #tpu.memory_space<hbm>> -> memref<1x4096xf32, #tpu.memory_space<hbm>>
    %dma_start3A_193 = tpu.memref_squeeze %dma_start3A_192 : memref<1x4096xf32, #tpu.memory_space<hbm>> -> memref<4096xf32, #tpu.memory_space<hbm>>
    %dma_start3A_194 = arith.constant 0 : i32
    %dma_start3A_195 = tpu.memref_slice %arg7[%dma_start3A_184, %dma_start3A_194] : memref<2x4096xf32, #tpu.memory_space<vmem>> -> memref<1x4096xf32, #tpu.memory_space<vmem>>
    %dma_start3A_196 = tpu.memref_squeeze %dma_start3A_195 : memref<1x4096xf32, #tpu.memory_space<vmem>> -> memref<4096xf32, #tpu.memory_space<vmem>>
    tpu.enqueue_dma source(%dma_start3A_196 : memref<4096xf32, #tpu.memory_space<vmem>>) target(%dma_start3A_193 : memref<4096xf32, #tpu.memory_space<hbm>>) target_semaphore(%arg9 : memref<!tpu.dma_semaphore, #tpu.memory_space<semaphore_mem>>)
    %dma_wait3A_197 = arith.constant 1 : i32
    %dma_wait3A_198 = arith.constant 0 : i32
    %dma_wait3A_199 = tpu.memref_slice %arg7[%dma_wait3A_197, %dma_wait3A_198] : memref<2x4096xf32, #tpu.memory_space<vmem>> -> memref<1x4096xf32, #tpu.memory_space<vmem>>
    %dma_wait3A_200 = tpu.memref_squeeze %dma_wait3A_199 : memref<1x4096xf32, #tpu.memory_space<vmem>> -> memref<4096xf32, #tpu.memory_space<vmem>>
    %dma_wait3A_201 = arith.constant 4096 : i32
    %dma_wait3A_202 = tpu.memref_slice %arg4[%add3A_109, %dma_wait3A_201] : memref<64x16384xf32, #tpu.memory_space<hbm>> -> memref<1x4096xf32, #tpu.memory_space<hbm>>
    %dma_wait3A_203 = tpu.memref_squeeze %dma_wait3A_202 : memref<1x4096xf32, #tpu.memory_space<hbm>> -> memref<4096xf32, #tpu.memory_space<hbm>>
    %dma_wait3A_204 = arith.constant 4096 : i32
    %dma_wait3A_205 = tpu.memref_slice %arg4[%add3A_109, %dma_wait3A_204] : memref<64x16384xf32, #tpu.memory_space<hbm>> -> memref<1x4096xf32, #tpu.memory_space<hbm>>
    %dma_wait3A_206 = tpu.memref_squeeze %dma_wait3A_205 : memref<1x4096xf32, #tpu.memory_space<hbm>> -> memref<4096xf32, #tpu.memory_space<hbm>>
    %dma_wait3A_207 = arith.constant 0 : i32
    %dma_wait3A_208 = tpu.memref_slice %arg7[%dma_wait3A_197, %dma_wait3A_207] : memref<2x4096xf32, #tpu.memory_space<vmem>> -> memref<1x4096xf32, #tpu.memory_space<vmem>>
    %dma_wait3A_209 = tpu.memref_squeeze %dma_wait3A_208 : memref<1x4096xf32, #tpu.memory_space<vmem>> -> memref<4096xf32, #tpu.memory_space<vmem>>
    tpu.wait_dma2 semaphore(%arg9 : memref<!tpu.dma_semaphore, #tpu.memory_space<semaphore_mem>>) src(%dma_wait3A_209 : memref<4096xf32, #tpu.memory_space<vmem>>) dst(%dma_wait3A_206 : memref<4096xf32, #tpu.memory_space<hbm>>)
    %parallel_loop3A_210 = arith.constant 0 : i32
    %parallel_loop3A_211 = arith.constant 256 : i32
    %parallel_loop3A_212 = arith.constant 1 : i32
    scf.for %parallel_loop3A_252 = %parallel_loop3A_210 to %parallel_loop3A_211 step %parallel_loop3A_212  : i32 {
      %parallel_loop3A_253 = arith.constant 16 : i32
      %parallel_loop3A_254 = arith.muli %parallel_loop3A_252, %parallel_loop3A_253 : i32
      %parallel_loop3A_255 = arith.constant 12288 : i32
      %parallel_loop3A_256 = arith.addi %parallel_loop3A_255, %parallel_loop3A_254 : i32
      %parallel_loop3A_257 = arith.index_cast %parallel_loop3A_256 : i32 to index
      %parallel_loop3A_258 = tpu.vector_load %arg5[%parallel_loop3A_257] {strides = array<i32>} : memref<16384xi32, #tpu.memory_space<vmem>>, vector<16xi32>,
      %parallel_loop3A_259 = tpu.vector_load_idx %arg6[%parallel_loop3A_258] : memref<100000xf32, #tpu.memory_space<vmem>>[vector<16xi32>], vector<16xf32>,
      %parallel_loop3A_260 = arith.constant 1 : i32
      %parallel_loop3A_261 = arith.index_cast %parallel_loop3A_260 : i32 to index
      %parallel_loop3A_262 = arith.index_cast %parallel_loop3A_254 : i32 to index
      %parallel_loop3A_263 = tpu.vector_load %arg7[%parallel_loop3A_261, %parallel_loop3A_262] {strides = array<i32>} : memref<2x4096xf32, #tpu.memory_space<vmem>>, vector<16xf32>,
      tpu.vector_store %arg7[%parallel_loop3A_261, %parallel_loop3A_262], %parallel_loop3A_259 {strides = array<i32>} : memref<2x4096xf32, #tpu.memory_space<vmem>>, vector<16xf32>,
    } {sc.loop_unroll_factor = 8 : i64, sc.parallel_access}
    %dma_start3A_213 = arith.constant 1 : i32
    %dma_start3A_214 = arith.constant 0 : i32
    %dma_start3A_215 = tpu.memref_slice %arg7[%dma_start3A_213, %dma_start3A_214] : memref<2x4096xf32, #tpu.memory_space<vmem>> -> memref<1x4096xf32, #tpu.memory_space<vmem>>
    %dma_start3A_216 = tpu.memref_squeeze %dma_start3A_215 : memref<1x4096xf32, #tpu.memory_space<vmem>> -> memref<4096xf32, #tpu.memory_space<vmem>>
    %dma_start3A_217 = arith.constant 12288 : i32
    %dma_start3A_218 = tpu.memref_slice %arg4[%add3A_109, %dma_start3A_217] : memref<64x16384xf32, #tpu.memory_space<hbm>> -> memref<1x4096xf32, #tpu.memory_space<hbm>>
    %dma_start3A_219 = tpu.memref_squeeze %dma_start3A_218 : memref<1x4096xf32, #tpu.memory_space<hbm>> -> memref<4096xf32, #tpu.memory_space<hbm>>
    %dma_start3A_220 = arith.constant 12288 : i32
    %dma_start3A_221 = tpu.memref_slice %arg4[%add3A_109, %dma_start3A_220] : memref<64x16384xf32, #tpu.memory_space<hbm>> -> memref<1x4096xf32, #tpu.memory_space<hbm>>
    %dma_start3A_222 = tpu.memref_squeeze %dma_start3A_221 : memref<1x4096xf32, #tpu.memory_space<hbm>> -> memref<4096xf32, #tpu.memory_space<hbm>>
    %dma_start3A_223 = arith.constant 0 : i32
    %dma_start3A_224 = tpu.memref_slice %arg7[%dma_start3A_213, %dma_start3A_223] : memref<2x4096xf32, #tpu.memory_space<vmem>> -> memref<1x4096xf32, #tpu.memory_space<vmem>>
    %dma_start3A_225 = tpu.memref_squeeze %dma_start3A_224 : memref<1x4096xf32, #tpu.memory_space<vmem>> -> memref<4096xf32, #tpu.memory_space<vmem>>
    tpu.enqueue_dma source(%dma_start3A_225 : memref<4096xf32, #tpu.memory_space<vmem>>) target(%dma_start3A_222 : memref<4096xf32, #tpu.memory_space<hbm>>) target_semaphore(%arg9 : memref<!tpu.dma_semaphore, #tpu.memory_space<semaphore_mem>>)
    %dma_wait3A_226 = arith.constant 0 : i32
    %dma_wait3A_227 = arith.constant 0 : i32
    %dma_wait3A_228 = tpu.memref_slice %arg7[%dma_wait3A_226, %dma_wait3A_227] : memref<2x4096xf32, #tpu.memory_space<vmem>> -> memref<1x4096xf32, #tpu.memory_space<vmem>>
    %dma_wait3A_229 = tpu.memref_squeeze %dma_wait3A_228 : memref<1x4096xf32, #tpu.memory_space<vmem>> -> memref<4096xf32, #tpu.memory_space<vmem>>
    %dma_wait3A_230 = arith.constant 8192 : i32
    %dma_wait3A_231 = tpu.memref_slice %arg4[%add3A_109, %dma_wait3A_230] : memref<64x16384xf32, #tpu.memory_space<hbm>> -> memref<1x4096xf32, #tpu.memory_space<hbm>>
    %dma_wait3A_232 = tpu.memref_squeeze %dma_wait3A_231 : memref<1x4096xf32, #tpu.memory_space<hbm>> -> memref<4096xf32, #tpu.memory_space<hbm>>
    %dma_wait3A_233 = arith.constant 8192 : i32
    %dma_wait3A_234 = tpu.memref_slice %arg4[%add3A_109, %dma_wait3A_233] : memref<64x16384xf32, #tpu.memory_space<hbm>> -> memref<1x4096xf32, #tpu.memory_space<hbm>>
    %dma_wait3A_235 = tpu.memref_squeeze %dma_wait3A_234 : memref<1x4096xf32, #tpu.memory_space<hbm>> -> memref<4096xf32, #tpu.memory_space<hbm>>
    %dma_wait3A_236 = arith.constant 0 : i32
    %dma_wait3A_237 = tpu.memref_slice %arg7[%dma_wait3A_226, %dma_wait3A_236] : memref<2x4096xf32, #tpu.memory_space<vmem>> -> memref<1x4096xf32, #tpu.memory_space<vmem>>
    %dma_wait3A_238 = tpu.memref_squeeze %dma_wait3A_237 : memref<1x4096xf32, #tpu.memory_space<vmem>> -> memref<4096xf32, #tpu.memory_space<vmem>>
    tpu.wait_dma2 semaphore(%arg9 : memref<!tpu.dma_semaphore, #tpu.memory_space<semaphore_mem>>) src(%dma_wait3A_238 : memref<4096xf32, #tpu.memory_space<vmem>>) dst(%dma_wait3A_235 : memref<4096xf32, #tpu.memory_space<hbm>>)
    %dma_wait3A_239 = arith.constant 1 : i32
    %dma_wait3A_240 = arith.constant 0 : i32
    %dma_wait3A_241 = tpu.memref_slice %arg7[%dma_wait3A_239, %dma_wait3A_240] : memref<2x4096xf32, #tpu.memory_space<vmem>> -> memref<1x4096xf32, #tpu.memory_space<vmem>>
    %dma_wait3A_242 = tpu.memref_squeeze %dma_wait3A_241 : memref<1x4096xf32, #tpu.memory_space<vmem>> -> memref<4096xf32, #tpu.memory_space<vmem>>
    %dma_wait3A_243 = arith.constant 12288 : i32
    %dma_wait3A_244 = tpu.memref_slice %arg4[%add3A_109, %dma_wait3A_243] : memref<64x16384xf32, #tpu.memory_space<hbm>> -> memref<1x4096xf32, #tpu.memory_space<hbm>>
    %dma_wait3A_245 = tpu.memref_squeeze %dma_wait3A_244 : memref<1x4096xf32, #tpu.memory_space<hbm>> -> memref<4096xf32, #tpu.memory_space<hbm>>
    %dma_wait3A_246 = arith.constant 12288 : i32
    %dma_wait3A_247 = tpu.memref_slice %arg4[%add3A_109, %dma_wait3A_246] : memref<64x16384xf32, #tpu.memory_space<hbm>> -> memref<1x4096xf32, #tpu.memory_space<hbm>>
    %dma_wait3A_248 = tpu.memref_squeeze %dma_wait3A_247 : memref<1x4096xf32, #tpu.memory_space<hbm>> -> memref<4096xf32, #tpu.memory_space<hbm>>
    %dma_wait3A_249 = arith.constant 0 : i32
    %dma_wait3A_250 = tpu.memref_slice %arg7[%dma_wait3A_239, %dma_wait3A_249] : memref<2x4096xf32, #tpu.memory_space<vmem>> -> memref<1x4096xf32, #tpu.memory_space<vmem>>
    %dma_wait3A_251 = tpu.memref_squeeze %dma_wait3A_250 : memref<1x4096xf32, #tpu.memory_space<vmem>> -> memref<4096xf32, #tpu.memory_space<vmem>>
    tpu.wait_dma2 semaphore(%arg9 : memref<!tpu.dma_semaphore, #tpu.memory_space<semaphore_mem>>) src(%dma_wait3A_251 : memref<4096xf32, #tpu.memory_space<vmem>>) dst(%dma_wait3A_248 : memref<4096xf32, #tpu.memory_space<hbm>>)
    return
  }
}

</mosaic_0001>

<sc_bundles>
// kernel: kernel.3.cloned.1.call-start
scs
__scs_entry_jumppad:
0x0: {  	(pc) =	sbr.rel $0x88, $3  }
0x1: {  	(tag) =	ssettag $0x0;
	lr =	simm.s32 $0x1  }
0x2: {  	[smem:$0x3F9F] =	sst lr;
	_ =	strace $0xD0000000  }
0x3: {  	_ = 	snop  }
0x4: {  	_ = 	snop  }
0x5: {  	_ = 	snop  }
0x6: {  	_ = 	snop  }
0x7: {  	_ = 	snop  }
__scs_overlays_trampoline_lowered:
0x8: {  	[smem:$0x3FAE] =	sst s0  }
0x9: {  	[smem:$0x3FAF] =	sst s1  }
0xa: {  	[smem:$0x3FB0] =	sst s2  }
0xb: {  	[smem:$0x3FB1] =	sst s3  }
0xc: {  	[smem:$0x3FB2] =	sst s4  }
0xd: {  	[smem:$0x3FB3] =	sst s5  }
0xe: {  	[smem:$0x3FB4] =	sst s6  }
0xf: {  	[smem:$0x3FB5] =	sst s7  }
0x10: {  	[smem:$0x3FB6] =	sst s8  }
0x11: {  	[smem:$0x3FB7] =	sst s9;
	s0 =	simm.s32 @!p0 $0x0  }
0x12: {  	s1 =	sld [smem:$0x3F9D];
	s0 =	simm.s32 @p0 $0x1  }
0x13: {  	[smem:$0x3FB8] =	sst s0;
	s0 =	simm.s32 @!p1 $0x0  }
0x14: {  	s2 =	sld [smem:$0x3F9C];
	s0 =	simm.s32 @p1 $0x1  }
0x15: {  	[smem:$0x3FB9] =	sst s0;
	s0 =	simm.s32 @!p2 $0x0  }
0x16: {  	s3 =	sld [smem:$0x3FDB];
	s0 =	simm.s32 @p2 $0x1  }
0x17: {  	s4 =	simm.s32 $0x1BF5;
	[smem:$0x3FBB] =	sst s0  }
0x18: {  	s0 =	sld [smem:$0x3F9E];
	_ =	swait.ge [sflag:s4], $0x0  }
0x19: {  	s7 =	sld [smem:$0x3F9F]  }
0x1a: {  	s8 =	sadd.s32 $0xFFFFE003, lr  }
0x1b: {  	s9 =	sadd.s32 $0xFFFFFEF7, lr;
	s5 =	simm.s32 $0xFFFFFFFF;
	p2 =	slt.u32 s8, $0xFFFFF086  }
0x1c: {  	p1 =	slt.u32 s9, $0xF7A;
	s5 =	simm.s32 @!p2 $0x0  }
0x1d: {  	s5 =	simm.s32 @p1 $0x1;
	p0 =	seq.s32 s7, s2  }
0x1e: {  	s7 =	smul.u32 @!p0 $0xF7A, s2;
	p2 =	seq.s32 @!p0 s5, $0x0  }
0x1f: {  	s9 =	smul.u32 $0xF7A, s1;
	s8 =	simm.s32 @!p0 $0x1BF5;
	p2 =	por !p2, p0  }
0x20: {  	[sflag:s8] =	ssyncset.s32 @!p0 $0xFFFFF086;
	s6 =	sadd.s32 @!p0 s3, s7;
	s7 =	simm.s32 @!p0 $0x108  }
0x21: {  	s3 =	sadd.s32 s3, s9;
	s6 =	sadd.s32 @!p0 $0x88, s6;
	s7 =	simm.s32 @p2 $0x1082  }
0x22: {  	[simem:s7], [sflag:s8] =	dma.local @!p0 [hbm:s6], $0xF7A  }
0x23: {  	s9 =	sor.u32 $0xD0000000, s2;
	s6 =	simm.s32 $0x108;
	_ =	swait.ge @!p0 [sflag:s8], $0x0  }
0x24: {  	s3 =	sadd.s32 $0x88, s3;
	s6 =	simm.s32 @!p1 $0x1082;
	[sflag:s4] =	ssyncset.s32 $0xFFFFF086  }
0x25: {  	[simem:s6], [sflag:s4] =	dma.local [hbm:s3], $0xF7A  }
0x26: {  	[smem:$0x3F9F] =	sst s1;
	(tag) =	ssettag s2;
	_ =	strace s9  }
0x27: {  	s1 =	sld [smem:$0x3FAF]  }
0x28: {  	s2 =	sld [smem:$0x3FB0]  }
0x29: {  	s4 =	sld [smem:$0x3FB2]  }
0x2a: {  	p0 =	seq.s32 s5, $0x0;
	s5 =	sld [smem:$0x3FB3]  }
0x2b: {  	s6 =	sld [smem:$0x3FB4]  }
0x2c: {  	s7 =	sld [smem:$0x3FB5]  }
0x2d: {  	s3 =	simm.s32 $0x108;
	s8 =	sld [smem:$0x3FB6]  }
0x2e: {  	s3 =	simm.s32 @!p0 $0x1082;
	s9 =	sld [smem:$0x3FB7]  }
0x2f: {  	lr =	sadd.s32 s0, s3;
	s0 =	sld [smem:$0x3FAE]  }
0x30: {  	s3 =	sld [smem:$0x3FB1]  }
0x31: {  	[smem:$0x3FBA] =	sst s10  }
0x32: {  	s10 =	sld [smem:$0x3FB8];
	_ =	sdelay $0x3  }
0x33: {  	p0 =	seq.s32 s10, $0x1;
	s10 =	sld [smem:$0x3FBA];
	_ =	sdelay $0x3  }
0x34: {  	[smem:$0x3FBA] =	sst s10  }
0x35: {  	s10 =	sld [smem:$0x3FB9];
	_ =	sdelay $0x3  }
0x36: {  	p1 =	seq.s32 s10, $0x1;
	s10 =	sld [smem:$0x3FBA];
	_ =	sdelay $0x3  }
0x37: {  	[smem:$0x3FBA] =	sst s10  }
0x38: {  	s10 =	sld [smem:$0x3FBB]  }
0x39: {  	_ = 	snop;
	(pc) =	sbr.ind lr, $3  }
0x3a: {  	_ = 	snop  }
0x3b: {  	_ = 	snop  }
0x3c: {  	p2 =	seq.s32 s10, $0x1;
	s10 =	sld [smem:$0x3FBA]  }
0x3d: {  	_ =	shalt  }
0x3e: {  	_ =	shalt  }
0x3f: {  	_ =	shalt  }
0x40: {  	_ =	shalt  }
0x41: {  	_ =	shalt  }
0x42: {  	_ =	shalt  }
0x43: {  	_ =	shalt  }
0x44: {  	_ =	shalt  }
0x45: {  	_ =	shalt  }
0x46: {  	_ =	shalt  }
0x47: {  	_ =	shalt  }
0x48: {  	_ =	shalt  }
0x49: {  	_ =	shalt  }
0x4a: {  	_ =	shalt  }
0x4b: {  	_ =	shalt  }
0x4c: {  	_ =	shalt  }
0x4d: {  	_ =	shalt  }
0x4e: {  	_ =	shalt  }
0x4f: {  	_ =	shalt  }
0x50: {  	_ =	shalt  }
0x51: {  	_ =	shalt  }
0x52: {  	_ =	shalt  }
0x53: {  	_ =	shalt  }
0x54: {  	_ =	shalt  }
0x55: {  	_ =	shalt  }
0x56: {  	_ =	shalt  }
0x57: {  	_ =	shalt  }
0x58: {  	_ =	shalt  }
0x59: {  	_ =	shalt  }
0x5a: {  	_ =	shalt  }
0x5b: {  	_ =	shalt  }
0x5c: {  	_ =	shalt  }
0x5d: {  	_ =	shalt  }
0x5e: {  	_ =	shalt  }
0x5f: {  	_ =	shalt  }
0x60: {  	_ =	shalt  }
0x61: {  	_ =	shalt  }
0x62: {  	_ =	shalt  }
0x63: {  	_ =	shalt  }
0x64: {  	_ =	shalt  }
0x65: {  	_ =	shalt  }
0x66: {  	_ =	shalt  }
0x67: {  	_ =	shalt  }
0x68: {  	_ =	shalt  }
0x69: {  	_ =	shalt  }
0x6a: {  	_ =	shalt  }
0x6b: {  	_ =	shalt  }
0x6c: {  	_ =	shalt  }
0x6d: {  	_ =	shalt  }
0x6e: {  	_ =	shalt  }
0x6f: {  	_ =	shalt  }
0x70: {  	_ =	shalt  }
0x71: {  	_ =	shalt  }
0x72: {  	_ =	shalt  }
0x73: {  	_ =	shalt  }
0x74: {  	_ =	shalt  }
0x75: {  	_ =	shalt  }
0x76: {  	_ =	shalt  }
0x77: {  	_ =	shalt  }
0x78: {  	_ =	shalt  }
0x79: {  	_ =	shalt  }
0x7a: {  	_ =	shalt  }
0x7b: {  	_ =	shalt  }
0x7c: {  	_ =	shalt  }
0x7d: {  	_ =	shalt  }
0x7e: {  	_ =	shalt  }
0x7f: {  	_ =	shalt  }
0x80: {  	_ =	shalt  }
0x81: {  	_ =	shalt  }
0x82: {  	_ =	shalt  }
0x83: {  	_ =	shalt  }
0x84: {  	_ =	shalt  }
0x85: {  	_ =	shalt  }
0x86: {  	_ =	shalt  }
0x87: {  	_ =	shalt  }
.Lfunc_end0:
.L_simem_size_0:
called_computation_lowered:
.L_overlay_start_0:
0x88: {  	s2 =	sld [smem:$0x3FD9]  }
0x89: {  	s3 =	sld [smem:$0x3FFE];
	_ =	sdelay $0x1  }
0x8a: {  	s1 =	srdreg.scid  }
0x8b: {  	s0 =	sand.u32 $0x1, s1  }
0x8c: {  	s17 =	sshll.u32 s0, $0xA;
	s2 =	sadd.s32 s3, s2  }
0x8d: {  	s2 =	sadd.s32 s2, s17  }
0x8e: {  	[smem:$0x3FC6] =	sst s2  }
0x8f: {  	_ = 	snop  }
0x90: {  	s2 =	sld [smem:$0x3FC8]  }
0x91: {  	s18 =	sld [smem:$0x3FD0];
	(tm) =	ssettm $0x1  }
0x92: {  	s4 =	sld [smem:$0x3FFB];
	_ =	sdelay $0x3  }
0x93: {  	_ =	strace s4  }
0x94: {  	s4 =	sld [smem:$0x3FFC];
	_ =	sdelay $0x3  }
0x95: {  	_ =	strace s4  }
0x96: {  	s4 =	sld [smem:$0x3FFD];
	_ =	sdelay $0x3  }
0x97: {  	_ =	strace s4  }
0x98: {  	_ =	strace $0x8FFFFFFF  }
0x99: {  	s19 =	sld [smem:$0x3FDB];
	_ =	sdelay $0x1  }
0x9a: {  	s5 =	simm.s32 $_scs_section_size  }
0x9b: {  	s6 =	simm.s32 $_size__tile_overlayer_lowered;
	s7 =	simm.s32 $_tile_overlayer_lowered  }
0x9c: {  	s22 =	simm.s32 $0x1BFF;
	s21 =	sshll.u32 s7, $0x1;
	s4 =	sadd.s32 s5, s19  }
0x9d: {  	s8 =	simm.s32 $0x0;
	s20 =	sshll.u32 s6, $0x1;
	s6 =	sadd.s32 s21, s4  }
0x9e: {  	[timem:s8], [sflag:s22] =	dma.local [hbm:s6], s20  }
0x9f: {  	_ =	swait.ge [sflag:s22], s20  }
0xa0: {  	s5 =	ssub.s32 $0x0, s20;
	[sflag:s22] =	ssyncset.done $0x0  }
0xa1: {  	[sflag:s22] =	ssyncadd.s32 s5;
	_ =	sdelay $0x1  }
0xa2: {  	s23 =	simm.s32 $0x1B8B  }
0xa3: {  	_ =	swait.ge [sflag:s23], $0x1  }
0xa4: {  	[sflag:s23] =	ssyncset.done $0x0  }
0xa5: {  	s25 =	simm.s32 $0x1B8E;
	s24 =	sld [smem:$0x3FFE];
	[sflag:s23] =	ssyncadd.s32 $0xFFFFFFFF  }
0xa6: {  	s26 =	simm.s32 $execute0_lowered;
	[smem:$0x3FD2] =	sst s25  }
0xa7: {  	s6 =	sshll.u32 s26, $0x1;
	_ =	strace $0x80000046;
	[dreg:$0x1] =	wrdreg $0xFFFFFFFF  }
0xa8: {  	s28 =	simm.s32 $_size_execute0_lowered;
	s4 =	sadd.s32 s4, s6;
	[dreg:$0x0] =	wrdreg $0x0  }
0xa9: {  	s6 =	sshll.u32 s28, $0x1;
	[dreg:$0x2] =	wrdreg s4  }
0xaa: {  	[dreg:$0x3] =	wrdreg s6  }
0xab: {  	[dreg:$0x4] =	wrdreg $0xC0  }
0xac: {  	_ =	task [dreg:s8], $0x5FFFF  }
0xad: {  	[dreg:$0x1] =	wrdreg $0xFFFFFFFF  }
0xae: {  	[dreg:$0x0] =	wrdreg $0x60  }
0xaf: {  	[dreg:$0x2] =	wrdreg s24  }
0xb0: {  	[dreg:$0x3] =	wrdreg s2  }
0xb1: {  	[dreg:$0x4] =	wrdreg s18  }
0xb2: {  	[dreg:$0x5] =	wrdreg $0x9  }
0xb3: {  	_ =	task.clear_ibuf [dreg:s8], $0x6FFFF;
	_ =	strace $0x90000046  }
0xb4: {  	s29 =	simm.s32 $0x9;
	_ =	strace $0x80000048  }
0xb5: {  	_ =	swait.ge [sflag:s29], $0x1  }
0xb6: {  	[sflag:s29] =	ssyncadd.s32 $0xFFFFFFFF  }
0xb7: {  	_ =	strace $0x90000048  }
0xb8: {  	_ =	sfence  }
0xb9: {  	s30 =	sld [smem:$0x0];
	_ =	sdelay $0x2  }
0xba: {  	s31 =	sshll.u32 s1, $0xD;
	s1 =	sshrl.u32 s1, $0x2  }
0xbb: {  	s3 =	sand.u32 $0x4000, s31;
	s1 =	sadd.s32 s1, s30  }
0xbc: {  	s0 =	sor.u32 s3, s0;
	s1 =	sshll.u32 s1, $0x11  }
0xbd: {  	s0 =	sor.u32 s1, s0  }
0xbe: {  	s0 =	sadd.s32 $0x8F2B, s0  }
0xbf: {  	[sflag:s0] =	ssyncadd.remote.s32 $0x1  }
0xc0: {  	_ =	sfence.sel $0xFFFF  }
0xc1: {  	[dreg:$0x0] =	wrdreg $0xFFFFFFFF;
	(pc) =	sbr.abs _section_cstart, $3  }
0xc2: {  	[dreg:$0x1] =	wrdreg $0xFFFFFFFF  }
0xc3: {  	_ =	task.clear_ibuf [dreg:s8], $0x2FFFF;
	_ =	strace $0x9FFFFFFF  }
0xc4: {  	(tm) =	ssettm $0x7FFFFFFF  }
0xc5: {  	_ =	shalt  }
tec
execute0_lowered:
.L_overlay_start_1:
0x0: {  	(tag) =	ssettag $0x1  }
0x1: {  	s2 =	rddreg [dreg:$0x0]  }
0x2: {  	s9 =	rddreg [dreg:$0x1]  }
0x3: {  	s10 =	rddreg [dreg:$0x2]  }
0x4: {  	s0 =	rddreg [dreg:$0x3]  }
0x5: {  	s1 =	simm.s32 $0x0;
	s4 =	srdreg.scid;
	s19 =	simm.s32 $0x1  }
0x6: {  	s20 =	simm.s32 $0x2;
	s21 =	simm.s32 $0x4;
	s22 =	simm.s32 $0x0  }
0x7: {  	[smem:$0x7FF] =	sst s1;
	s3 =	sadd.s32 $0x400, s2;
	s2 =	stileid.u32  }
0x8: {  	s4 =	sand.u32 $0x1, s4;
	s13 =	sadd.s32 $0x1000, s10;
	s15 =	sadd.s32 $0x2000, s10  }
0x9: {  	s31 =	sadd.s32 $0x3000, s10;
	_ =	strace $0x80000047;
	s5 =	sshll.u32 s2, $0x9  }
0xa: {  	s6 =	sshrl.u32 s2, $0x1;
	s7 =	sshll.u32 s4, $0x8;
	s4 =	ssub.s32 $0x2, s4  }
0xb: {  	s5 =	sand.u32 $0x200, s5;
	s8 =	smul.u32 $0xC3800, s6;
	s28 =	sshrl.u32 s4, $0x1  }
0xc: {  	s11 =	sshll.u32 s6, $0x11;
	s7 =	sor.u32 s7, s5;
	s14 =	ssub.s32 s4, s28  }
0xd: {  	s29 =	sor.u32 s8, s7;
	s12 =	sor.u32 s11, s7;
	s16 =	sor.u32 $0x80, s7  }
0xe: {  	s14 =	smax.u32 s14, $0x1;
	s30 =	sshrl.u32 s29, $0x3;
	s12 =	sshrl.u32 s12, $0x3  }
0xf: {  	s8 =	sor.u32 s8, s16;
	s11 =	sor.u32 s11, s16;
	s16 =	simm.s32 $0x400  }
0x10: {  	s4 =	sadd.s32 s9, s30;
	s5 =	sadd.s32 s10, s12;
	s6 =	sadd.s32 s12, s13  }
0x11: {  	s7 =	sadd.s32 s12, s15;
	s17 =	sshrl.u32 s8, $0x3;
	s18 =	sshrl.u32 s11, $0x3  }
0x12: {  	s8 =	sadd.s32 s12, s31;
	s9 =	sadd.s32 s9, s17;
	s10 =	sadd.s32 s10, s18  }
0x13: {  	s11 =	sadd.s32 s18, s13;
	s12 =	sadd.s32 s18, s15;
	s13 =	sadd.s32 s18, s31  }
0x14: {  	v0 =	vimm.s32 $0x0;
	s15 =	simm.s32 $0x80;
	s17 =	simm.s32 $0x4000;
	s18 =	simm.s32 $0x3  }
.LBB2_1:
0x15: {  	[tilespmem:s1], [sflag:$0x3] =	stream.linear.gather [hbm4b:s3+s1], $0x4000, $0x38;
	[tilespmem:$0x1E700] =	vst v63  }
0x16: {  	_ = 	snop  }
0x17: {  	[tilespmem:s17], [sflag:$0x1] =	stream.strided.gather [hbm4b:s4+s15], $0x18700, s16, s15, $0x38;
	[tilespmem:$0x1E700] =	vst v63  }
0x18: {  	_ =	swait.ge [sflag:s18], $0x4000  }
0x19: {  	[sflag:s18] =	ssyncset.done $0x0  }
0x1a: {  	s23 =	simm.s32 $0x40;
	[sflag:s18] =	ssyncadd.s32 $0xFFFFC000  }
0x1b: {  	v6 =	vld [tilespmem:s23+$0x30]  }
0x1c: {  	v1 =	vld [tilespmem:s23+$0xFFFFFFD0]  }
0x1d: {  	v2 =	vld [tilespmem:s23+$0xFFFFFFE0]  }
0x1e: {  	v3 =	vld [tilespmem:s23+$0xFFFFFFF0]  }
0x1f: {  	v4 =	vld [tilespmem:s23+$0x0]  }
0x20: {  	v5 =	vld [tilespmem:s23+$0x10]  }
0x21: {  	v7 =	vld [tilespmem:s23+$0x20]  }
0x22: {  	v15 =	vld [tilespmem:s23+$0xFFFFFFC0]  }
0x23: {  	v8 =	vcvt.s32.f32 v6  }
0x24: {  	v9 =	vcvt.s32.f32 v1;
	v10 =	vcvt.s32.f32 v2  }
0x25: {  	v11 =	vcvt.s32.f32 v3;
	v12 =	vcvt.s32.f32 v4  }
0x26: {  	v13 =	vcvt.s32.f32 v5;
	v14 =	vcvt.s32.f32 v7  }
0x27: {  	v16 =	vcvt.s32.f32 v15;
	v8 =	vmul.f32 $1.111111140e-02, v8  }
0x28: {  	v9 =	vmul.f32 $1.111111140e-02, v9;
	v10 =	vmul.f32 $1.111111140e-02, v10  }
0x29: {  	v11 =	vmul.f32 $1.111111140e-02, v11;
	v12 =	vmul.f32 $1.111111140e-02, v12  }
0x2a: {  	v16 =	vmul.f32 $1.111111140e-02, v16;
	v8 =	vtrunc.f32 v8  }
0x2b: {  	v13 =	vmul.f32 $1.111111140e-02, v13;
	v8 =	vcvt.f32.s32 v8  }
0x2c: {  	v14 =	vmul.f32 $1.111111140e-02, v14;
	v16 =	vtrunc.f32 v16  }
0x2d: {  	v18 =	vtrunc.f32 v13;
	v13 =	vcvt.f32.s32 v16;
	v17 =	vmul.u32 $0xFFFFFFA6, v8  }
0x2e: {  	v9 =	vtrunc.f32 v9;
	v10 =	vtrunc.f32 v10  }
0x2f: {  	v16 =	vtrunc.f32 v14;
	v20 =	vmul.u32 $0xFFFFFFA6, v13;
	v6 =	vadd.s32 v6, v17  }
0x30: {  	v17 =	vtrunc.f32 v11;
	vm0 =	vgt.s32 v6, $0x59;
	v6 =	vtrunc.f32 v12  }
0x31: {  	v12 =	vcvt.f32.s32 v9;
	v11 =	vsel vm0, $0x1, v0;
	v9 =	vcvt.f32.s32 v6  }
0x32: {  	v19 =	vadd.s32 v8, v11;
	v11 =	vcvt.f32.s32 v10;
	v10 =	vcvt.f32.s32 v17  }
0x33: {  	v15 =	vadd.s32 v15, v20;
	v6 =	vcvt.f32.s32 v16;
	v8 =	vcvt.f32.s32 v18  }
0x34: {  	v14 =	vmul.u32 $0xFFFFFFA6, v12;
	v17 =	vmul.u32 $0xFFFFFFA6, v11;
	v18 =	vmul.u32 $0xFFFFFFA6, v10  }
0x35: {  	s24 =	simm.s32 $0x0;
	s25 =	simm.s32 $0xC0;
	v16 =	vmul.u32 $0xFFFFFFA6, v9;
	[tilespmem:s23+$0x30] =	vst v19;
	v19 =	vmul.u32 $0xFFFFFFA6, v6;
	v20 =	vmul.u32 $0xFFFFFFA6, v8  }
.LBB2_2:
0x36: {  	v21 =	vld [tilespmem:s25+$0x30];
	s24 =	sadd.s32 $0x8, s24;
	v14 =	vadd.s32 v1, v14;
	v17 =	vadd.s32 v2, v17;
	v18 =	vadd.s32 v3, v18  }
0x37: {  	v4 =	vadd.s32 v4, v16;
	v1 =	vld [tilespmem:s25+$0xFFFFFFD0];
	p0 =	slt.u32 s24, $0x3F8;
	v5 =	vadd.s32 v5, v20;
	v7 =	vadd.s32 v7, v19  }
0x38: {  	vm0 =	vgt.s32 v15, $0x59;
	vm1 =	vgt.s32 v14, $0x59;
	vm2 =	vgt.s32 v17, $0x59;
	v2 =	vld [tilespmem:s25+$0xFFFFFFE0]  }
0x39: {  	vm3 =	vgt.s32 v18, $0x59;
	vm4 =	vgt.s32 v4, $0x59;
	vm5 =	vgt.s32 v5, $0x59;
	v3 =	vld [tilespmem:s25+$0xFFFFFFF0]  }
0x3a: {  	v14 =	vsel vm0, $0x1, v0;
	v15 =	vsel vm1, $0x1, v0;
	vm0 =	vgt.s32 v7, $0x59;
	v4 =	vld [tilespmem:s25+$0x0]  }
0x3b: {  	v17 =	vsel vm2, $0x1, v0;
	v18 =	vsel vm3, $0x1, v0;
	v5 =	vld [tilespmem:s25+$0x10];
	v16 =	vcvt.s32.f32 v21  }
0x3c: {  	v20 =	vsel vm4, $0x1, v0;
	v22 =	vsel vm5, $0x1, v0;
	v19 =	vcvt.s32.f32 v1;
	v7 =	vld [tilespmem:s25+$0x20]  }
0x3d: {  	v25 =	vsel vm0, $0x1, v0;
	v23 =	vld [tilespmem:s25+$0xFFFFFFC0];
	v24 =	vcvt.s32.f32 v2;
	v16 =	vmul.f32 $1.111111140e-02, v16  }
0x3e: {  	v13 =	vadd.s32 v13, v14;
	v19 =	vmul.f32 $1.111111140e-02, v19;
	v26 =	vcvt.s32.f32 v3  }
0x3f: {  	v12 =	vadd.s32 v12, v15;
	v14 =	vcvt.s32.f32 v4;
	v16 =	vtrunc.f32 v16;
	[tilespmem:s23+$0xFFFFFFC0] =	vst v13  }
0x40: {  	v11 =	vadd.s32 v11, v17;
	v13 =	vcvt.s32.f32 v5;
	v15 =	vcvt.f32.s32 v16;
	[tilespmem:s23+$0xFFFFFFD0] =	vst v12  }
0x41: {  	v10 =	vadd.s32 v10, v18;
	v12 =	vmul.f32 $1.111111140e-02, v24;
	v16 =	vcvt.s32.f32 v7;
	[tilespmem:s23+$0xFFFFFFE0] =	vst v11  }
0x42: {  	v17 =	vmul.f32 $1.111111140e-02, v26;
	v11 =	vcvt.s32.f32 v23;
	v18 =	vmul.u32 $0xFFFFFFA6, v15;
	[tilespmem:s23+$0xFFFFFFF0] =	vst v10  }
0x43: {  	v9 =	vadd.s32 v9, v20;
	v10 =	vmul.f32 $1.111111140e-02, v14;
	v13 =	vmul.f32 $1.111111140e-02, v13  }
0x44: {  	v14 =	vmul.f32 $1.111111140e-02, v16;
	v11 =	vmul.f32 $1.111111140e-02, v11;
	v16 =	vadd.s32 v21, v18;
	[tilespmem:s23+$0x0] =	vst v9  }
0x45: {  	v9 =	vtrunc.f32 v19;
	v18 =	vtrunc.f32 v12;
	vm0 =	vgt.s32 v16, $0x59  }
0x46: {  	v16 =	vtrunc.f32 v17;
	v11 =	vtrunc.f32 v11;
	v12 =	vsel vm0, $0x1, v0  }
0x47: {  	v19 =	vtrunc.f32 v13;
	v17 =	vtrunc.f32 v10;
	v10 =	vadd.s32 v15, v12  }
0x48: {  	v8 =	vadd.s32 v8, v22;
	v13 =	vcvt.f32.s32 v11;
	v15 =	vtrunc.f32 v14;
	[tilespmem:s25+$0x30] =	vst v10  }
.Ltmp0:
0x49: {  	v6 =	vadd.s32 v6, v25;
	v12 =	vcvt.f32.s32 v9;
	v11 =	vcvt.f32.s32 v18;
	[tilespmem:s23+$0x10] =	vst v8;
	(pc) =	sbr.rel @p0 .LBB2_2-.Ltmp0, $4  }
0x4a: {  	v9 =	vcvt.f32.s32 v17;
	v10 =	vcvt.f32.s32 v16;
	v20 =	vmul.u32 $0xFFFFFFA6, v13;
	[tilespmem:s23+$0x20] =	vst v6;
	s23 =	smov.u32 s25  }
0x4b: {  	v14 =	vmul.u32 $0xFFFFFFA6, v12;
	v8 =	vcvt.f32.s32 v19;
	v6 =	vcvt.f32.s32 v15  }
0x4c: {  	v17 =	vmul.u32 $0xFFFFFFA6, v11;
	v16 =	vmul.u32 $0xFFFFFFA6, v9;
	v18 =	vmul.u32 $0xFFFFFFA6, v10  }
0x4d: {  	s25 =	sadd.s32 $0x80, s25;
	v15 =	vadd.s32 v23, v20;
	v20 =	vmul.u32 $0xFFFFFFA6, v8;
	v19 =	vmul.u32 $0xFFFFFFA6, v6  }
0x4e: {  	v1 =	vadd.s32 v1, v14;
	v2 =	vadd.s32 v2, v17;
	v3 =	vadd.s32 v3, v18  }
0x4f: {  	v4 =	vadd.s32 v4, v16;
	vm0 =	vgt.s32 v15, $0x59;
	v5 =	vadd.s32 v5, v20  }
0x50: {  	v7 =	vadd.s32 v7, v19;
	vm1 =	vgt.s32 v1, $0x59;
	v1 =	vsel vm0, $0x1, v0  }
0x51: {  	vm11 =	vgt.s32 v2, $0x59;
	v2 =	vsel vm1, $0x1, v0;
	v1 =	vadd.s32 v13, v1  }
0x52: {  	vm12 =	vgt.s32 v3, $0x59;
	v3 =	vsel vm11, $0x1, v0;
	[tilespmem:s23+$0xFFFFFFC0] =	vst v1;
	v1 =	vadd.s32 v12, v2  }
0x53: {  	vm13 =	vgt.s32 v4, $0x59;
	v2 =	vsel vm12, $0x1, v0;
	[tilespmem:s23+$0xFFFFFFD0] =	vst v1;
	v1 =	vadd.s32 v11, v3  }
0x54: {  	vm14 =	vgt.s32 v5, $0x59;
	v3 =	vsel vm13, $0x1, v0;
	[tilespmem:s23+$0xFFFFFFE0] =	vst v1;
	v1 =	vadd.s32 v10, v2  }
0x55: {  	vm15 =	vgt.s32 v7, $0x59;
	v2 =	vsel vm14, $0x1, v0;
	[tilespmem:s23+$0xFFFFFFF0] =	vst v1;
	v1 =	vadd.s32 v9, v3  }
0x56: {  	v3 =	vsel vm15, $0x1, v0;
	[tilespmem:s23+$0x0] =	vst v1;
	v1 =	vadd.s32 v8, v2  }
0x57: {  	[tilespmem:s23+$0x10] =	vst v1;
	v1 =	vadd.s32 v6, v3  }
0x58: {  	[tilespmem:s23+$0x20] =	vst v1  }
0x59: {  	_ =	swait.ge [sflag:s19], $0x18700  }
0x5a: {  	[sflag:s19] =	ssyncset.done $0x0  }
0x5b: {  	s31 =	simm.s32 $0x40;
	[sflag:s19] =	ssyncadd.s32 $0xFFFE7900  }
0x5c: {  	v1 =	vld [tilespmem:s31+$0x30]  }
0x5d: {  	v2 =	vld [tilespmem:s31+$0xFFFFFFD0]  }
0x5e: {  	v3 =	vld [tilespmem:s31+$0xFFFFFFE0]  }
0x5f: {  	v4 =	vld [tilespmem:s31+$0xFFFFFFF0]  }
0x60: {  	v5 =	vld [tilespmem:s31+$0x0]  }
0x61: {  	v7 =	vld [tilespmem:s31+$0x10]  }
0x62: {  	v8 =	vld [tilespmem:s31+$0x20]  }
0x63: {  	v61 =	vld [tilespmem:s31+$0xFFFFFFC0]  }
0x64: {  	v62 =	vld.idx.msk [tilespmem:v1+s17+$0x0], $0xffff  }
0x65: {  	v63 =	vld.idx.msk [tilespmem:v2+s17+$0x0], $0xffff  }
0x66: {  	v6 =	vld.idx.msk [tilespmem:v3+s17+$0x0], $0xffff  }
0x67: {  	v4 =	vld.idx.msk [tilespmem:v4+s17+$0x0], $0xffff  }
0x68: {  	v1 =	vld.idx.msk [tilespmem:v5+s17+$0x0], $0xffff  }
0x69: {  	s23 =	simm.s32 $0x1C740;
	v2 =	vld.idx.msk [tilespmem:v7+s17+$0x0], $0xffff  }
0x6a: {  	v3 =	vld.idx.msk [tilespmem:v8+s17+$0x0], $0xffff;
	[tilespmem:s23+$0x30] =	vst v62  }
0x6b: {  	s24 =	simm.s32 $0x0;
	s25 =	simm.s32 $0xC0;
	v5 =	vld.idx.msk [tilespmem:v61+s17+$0x0], $0xffff;
	[tilespmem:s23+$0xFFFFFFD0] =	vst v63  }
.LBB2_4:
0x6c: {  	v7 =	vld [tilespmem:s25+$0x30];
	s24 =	sadd.s32 $0x8, s24;
	[tilespmem:s23+$0xFFFFFFE0] =	vst v6  }
0x6d: {  	v6 =	vld [tilespmem:s25+$0xFFFFFFD0];
	p0 =	slt.u32 s24, $0xF8;
	[tilespmem:s23+$0xFFFFFFF0] =	vst v4  }
0x6e: {  	v4 =	vld [tilespmem:s25+$0xFFFFFFE0];
	[tilespmem:s23+$0x0] =	vst v1  }
0x6f: {  	v1 =	vld [tilespmem:s25+$0xFFFFFFF0];
	[tilespmem:s23+$0x10] =	vst v2  }
0x70: {  	v2 =	vld [tilespmem:s25+$0x0];
	[tilespmem:s23+$0x20] =	vst v3  }
0x71: {  	v3 =	vld [tilespmem:s25+$0x10];
	[tilespmem:s23+$0xFFFFFFC0] =	vst v5  }
0x72: {  	v5 =	vld [tilespmem:s25+$0x20]  }
0x73: {  	v8 =	vld [tilespmem:s25+$0xFFFFFFC0]  }
0x74: {  	v7 =	vld.idx.msk [tilespmem:v7+s17+$0x0], $0xffff  }
0x75: {  	v9 =	vld.idx.msk [tilespmem:v6+s17+$0x0], $0xffff  }
0x76: {  	v6 =	vld.idx.msk [tilespmem:v4+s17+$0x0], $0xffff  }
.Ltmp1:
0x77: {  	v4 =	vld.idx.msk [tilespmem:v1+s17+$0x0], $0xffff;
	(pc) =	sbr.rel @p0 .LBB2_4-.Ltmp1, $4  }
0x78: {  	v1 =	vld.idx.msk [tilespmem:v2+s17+$0x0], $0xffff  }
0x79: {  	s23 =	sadd.s32 $0x100, s23;
	v2 =	vld.idx.msk [tilespmem:v3+s17+$0x0], $0xffff  }
0x7a: {  	v3 =	vld.idx.msk [tilespmem:v5+s17+$0x0], $0xffff;
	[tilespmem:s23+$0x30] =	vst v7  }
0x7b: {  	s25 =	sadd.s32 $0x80, s25;
	v5 =	vld.idx.msk [tilespmem:v8+s17+$0x0], $0xffff;
	[tilespmem:s23+$0xFFFFFFD0] =	vst v9  }
0x7c: {  	[tilespmem:s23+$0xFFFFFFE0] =	vst v6  }
0x7d: {  	[tilespmem:s23+$0xFFFFFFF0] =	vst v4  }
0x7e: {  	[tilespmem:s23+$0x0] =	vst v1  }
0x7f: {  	[tilespmem:s23+$0x10] =	vst v2  }
0x80: {  	[tilespmem:s23+$0x20] =	vst v3  }
0x81: {  	s24 =	simm.s32 $0x1C700;
	[tilespmem:s23+$0xFFFFFFC0] =	vst v5;
	s23 =	simm.s32 $0x0  }
.LBB2_6:
0x82: {  	p0 =	sne.s32 s23, $0xF80  }
.Ltmp2:
0x83: {  	_ = 	snop;
	(pc) =	sbr.rel @p0 .LBB2_6-.Ltmp2, $4  }
0x84: {  	_ = 	snop  }
0x85: {  	s25 =	sadd.s32 s23, s5  }
0x86: {  	[hbm4b:s25+s1] =	stream.linear.scatter [tilespmem:s24], [sflag:$0x2], $0x80, $0x38;
	[tilespmem:$0x1E700] =	vst v63  }
0x87: {  	s23 =	sadd.s32 $0x80, s23;
	s24 =	sadd.s32 $0x100, s24  }
0x88: {  	s23 =	simm.s32 $0x1070  }
0x89: {  	v1 =	vld [tilespmem:s23+$0x0]  }
0x8a: {  	v2 =	vld [tilespmem:s23+$0xFFFFFFA0]  }
0x8b: {  	v3 =	vld [tilespmem:s23+$0xFFFFFFB0]  }
0x8c: {  	v4 =	vld [tilespmem:s23+$0xFFFFFFC0]  }
0x8d: {  	v5 =	vld [tilespmem:s23+$0xFFFFFFD0]  }
0x8e: {  	v7 =	vld [tilespmem:s23+$0xFFFFFFE0]  }
0x8f: {  	v8 =	vld [tilespmem:s23+$0xFFFFFFF0]  }
0x90: {  	v9 =	vld [tilespmem:s23+$0xFFFFFF90]  }
0x91: {  	v10 =	vld.idx.msk [tilespmem:v1+s17+$0x0], $0xffff  }
0x92: {  	v11 =	vld.idx.msk [tilespmem:v2+s17+$0x0], $0xffff  }
0x93: {  	v6 =	vld.idx.msk [tilespmem:v3+s17+$0x0], $0xffff  }
0x94: {  	v4 =	vld.idx.msk [tilespmem:v4+s17+$0x0], $0xffff  }
0x95: {  	v1 =	vld.idx.msk [tilespmem:v5+s17+$0x0], $0xffff  }
0x96: {  	s23 =	simm.s32 $0x1C7F0;
	v2 =	vld.idx.msk [tilespmem:v7+s17+$0x0], $0xffff  }
0x97: {  	v3 =	vld.idx.msk [tilespmem:v8+s17+$0x0], $0xffff;
	[tilespmem:s23+$0x0] =	vst v10  }
0x98: {  	s24 =	simm.s32 $0x0;
	s25 =	simm.s32 $0x10F0;
	v5 =	vld.idx.msk [tilespmem:v9+s17+$0x0], $0xffff;
	[tilespmem:s23+$0xFFFFFFA0] =	vst v11  }
.LBB2_8:
0x99: {  	v7 =	vld [tilespmem:s25+$0x0];
	s24 =	sadd.s32 $0x8, s24;
	[tilespmem:s23+$0xFFFFFFB0] =	vst v6  }
0x9a: {  	v6 =	vld [tilespmem:s25+$0xFFFFFFA0];
	p0 =	slt.u32 s24, $0xF8;
	[tilespmem:s23+$0xFFFFFFC0] =	vst v4  }
0x9b: {  	v4 =	vld [tilespmem:s25+$0xFFFFFFB0];
	[tilespmem:s23+$0xFFFFFFD0] =	vst v1  }
0x9c: {  	v1 =	vld [tilespmem:s25+$0xFFFFFFC0];
	[tilespmem:s23+$0xFFFFFFE0] =	vst v2  }
0x9d: {  	v2 =	vld [tilespmem:s25+$0xFFFFFFD0];
	[tilespmem:s23+$0xFFFFFFF0] =	vst v3  }
0x9e: {  	v3 =	vld [tilespmem:s25+$0xFFFFFFE0];
	[tilespmem:s23+$0xFFFFFF90] =	vst v5  }
0x9f: {  	v5 =	vld [tilespmem:s25+$0xFFFFFFF0]  }
0xa0: {  	v8 =	vld [tilespmem:s25+$0xFFFFFF90]  }
0xa1: {  	v7 =	vld.idx.msk [tilespmem:v7+s17+$0x0], $0xffff  }
0xa2: {  	v9 =	vld.idx.msk [tilespmem:v6+s17+$0x0], $0xffff  }
0xa3: {  	v6 =	vld.idx.msk [tilespmem:v4+s17+$0x0], $0xffff  }
.Ltmp3:
0xa4: {  	v4 =	vld.idx.msk [tilespmem:v1+s17+$0x0], $0xffff;
	(pc) =	sbr.rel @p0 .LBB2_8-.Ltmp3, $4  }
0xa5: {  	v1 =	vld.idx.msk [tilespmem:v2+s17+$0x0], $0xffff  }
0xa6: {  	s23 =	sadd.s32 $0x100, s23;
	v2 =	vld.idx.msk [tilespmem:v3+s17+$0x0], $0xffff  }
0xa7: {  	v3 =	vld.idx.msk [tilespmem:v5+s17+$0x0], $0xffff;
	[tilespmem:s23+$0x0] =	vst v7  }
0xa8: {  	s25 =	sadd.s32 $0x80, s25;
	v5 =	vld.idx.msk [tilespmem:v8+s17+$0x0], $0xffff;
	[tilespmem:s23+$0xFFFFFFA0] =	vst v9  }
0xa9: {  	[tilespmem:s23+$0xFFFFFFB0] =	vst v6  }
0xaa: {  	[tilespmem:s23+$0xFFFFFFC0] =	vst v4  }
0xab: {  	[tilespmem:s23+$0xFFFFFFD0] =	vst v1  }
0xac: {  	[tilespmem:s23+$0xFFFFFFE0] =	vst v2  }
0xad: {  	s24 =	simm.s32 $0x1C780;
	[tilespmem:s23+$0xFFFFFFF0] =	vst v3  }
0xae: {  	s26 =	sadd.s32 $0x0, s6;
	s25 =	simm.s32 $0x1C880;
	[tilespmem:s23+$0xFFFFFF90] =	vst v5;
	s23 =	simm.s32 $0x80  }
.LBB2_10:
0xaf: {  	[hbm4b:s26+s1] =	stream.linear.scatter [tilespmem:s24], [sflag:$0x2], $0x80, $0x38;
	[tilespmem:$0x1E700] =	vst v63  }
0xb0: {  	s26 =	smov.u32 s23;
	s24 =	smov.u32 s25;
	p0 =	sne.s32 s23, $0xF80  }
.Ltmp4:
0xb1: {  	s23 =	sadd.s32 $0x80, s23;
	(pc) =	sbr.rel @p0 .LBB2_10-.Ltmp4, $2  }
0xb2: {  	_ =	sdelay $0x2  }
0xb3: {  	s25 =	sadd.s32 $0x100, s25;
	s26 =	sadd.s32 s26, s6  }
0xb4: {  	[hbm4b:s26+s1] =	stream.linear.scatter [tilespmem:s24], [sflag:$0x2], $0x80, $0x38;
	[tilespmem:$0x1E700] =	vst v63  }
0xb5: {  	_ =	swait.ge [sflag:s20], $0x1000  }
0xb6: {  	[sflag:s20] =	ssyncset.done $0x0  }
0xb7: {  	s23 =	simm.s32 $0x2070;
	[sflag:s20] =	ssyncadd.s32 $0xFFFFF000  }
0xb8: {  	v1 =	vld [tilespmem:s23+$0x0]  }
0xb9: {  	v2 =	vld [tilespmem:s23+$0xFFFFFFA0]  }
0xba: {  	v3 =	vld [tilespmem:s23+$0xFFFFFFB0]  }
0xbb: {  	v4 =	vld [tilespmem:s23+$0xFFFFFFC0]  }
0xbc: {  	v5 =	vld [tilespmem:s23+$0xFFFFFFD0]  }
0xbd: {  	v7 =	vld [tilespmem:s23+$0xFFFFFFE0]  }
0xbe: {  	v8 =	vld [tilespmem:s23+$0xFFFFFFF0]  }
0xbf: {  	v9 =	vld [tilespmem:s23+$0xFFFFFF90]  }
0xc0: {  	v10 =	vld.idx.msk [tilespmem:v1+s17+$0x0], $0xffff  }
0xc1: {  	v11 =	vld.idx.msk [tilespmem:v2+s17+$0x0], $0xffff  }
0xc2: {  	v6 =	vld.idx.msk [tilespmem:v3+s17+$0x0], $0xffff  }
0xc3: {  	v4 =	vld.idx.msk [tilespmem:v4+s17+$0x0], $0xffff  }
0xc4: {  	v1 =	vld.idx.msk [tilespmem:v5+s17+$0x0], $0xffff  }
0xc5: {  	s23 =	simm.s32 $0x1C740;
	v2 =	vld.idx.msk [tilespmem:v7+s17+$0x0], $0xffff  }
0xc6: {  	v3 =	vld.idx.msk [tilespmem:v8+s17+$0x0], $0xffff;
	[tilespmem:s23+$0x30] =	vst v10  }
0xc7: {  	s24 =	simm.s32 $0x0;
	s25 =	simm.s32 $0x20F0;
	v5 =	vld.idx.msk [tilespmem:v9+s17+$0x0], $0xffff;
	[tilespmem:s23+$0xFFFFFFD0] =	vst v11  }
.LBB2_12:
0xc8: {  	v7 =	vld [tilespmem:s25+$0x0];
	s24 =	sadd.s32 $0x8, s24;
	[tilespmem:s23+$0xFFFFFFE0] =	vst v6  }
0xc9: {  	v6 =	vld [tilespmem:s25+$0xFFFFFFA0];
	p0 =	slt.u32 s24, $0xF8;
	[tilespmem:s23+$0xFFFFFFF0] =	vst v4  }
0xca: {  	v4 =	vld [tilespmem:s25+$0xFFFFFFB0];
	[tilespmem:s23+$0x0] =	vst v1  }
0xcb: {  	v1 =	vld [tilespmem:s25+$0xFFFFFFC0];
	[tilespmem:s23+$0x10] =	vst v2  }
0xcc: {  	v2 =	vld [tilespmem:s25+$0xFFFFFFD0];
	[tilespmem:s23+$0x20] =	vst v3  }
0xcd: {  	v3 =	vld [tilespmem:s25+$0xFFFFFFE0];
	[tilespmem:s23+$0xFFFFFFC0] =	vst v5  }
0xce: {  	v5 =	vld [tilespmem:s25+$0xFFFFFFF0]  }
0xcf: {  	v8 =	vld [tilespmem:s25+$0xFFFFFF90]  }
0xd0: {  	v7 =	vld.idx.msk [tilespmem:v7+s17+$0x0], $0xffff  }
0xd1: {  	v9 =	vld.idx.msk [tilespmem:v6+s17+$0x0], $0xffff  }
0xd2: {  	v6 =	vld.idx.msk [tilespmem:v4+s17+$0x0], $0xffff  }
.Ltmp5:
0xd3: {  	v4 =	vld.idx.msk [tilespmem:v1+s17+$0x0], $0xffff;
	(pc) =	sbr.rel @p0 .LBB2_12-.Ltmp5, $4  }
0xd4: {  	v1 =	vld.idx.msk [tilespmem:v2+s17+$0x0], $0xffff  }
0xd5: {  	s23 =	sadd.s32 $0x100, s23;
	v2 =	vld.idx.msk [tilespmem:v3+s17+$0x0], $0xffff  }
0xd6: {  	v3 =	vld.idx.msk [tilespmem:v5+s17+$0x0], $0xffff;
	[tilespmem:s23+$0x30] =	vst v7  }
0xd7: {  	s25 =	sadd.s32 $0x80, s25;
	v5 =	vld.idx.msk [tilespmem:v8+s17+$0x0], $0xffff;
	[tilespmem:s23+$0xFFFFFFD0] =	vst v9  }
0xd8: {  	[tilespmem:s23+$0xFFFFFFE0] =	vst v6  }
0xd9: {  	[tilespmem:s23+$0xFFFFFFF0] =	vst v4  }
0xda: {  	[tilespmem:s23+$0x0] =	vst v1  }
0xdb: {  	[tilespmem:s23+$0x10] =	vst v2  }
0xdc: {  	s24 =	simm.s32 $0x1C700;
	[tilespmem:s23+$0x20] =	vst v3  }
0xdd: {  	s26 =	sadd.s32 $0x0, s7;
	s25 =	simm.s32 $0x1C800;
	[tilespmem:s23+$0xFFFFFFC0] =	vst v5;
	s23 =	simm.s32 $0x80  }
.LBB2_14:
0xde: {  	[hbm4b:s26+s1] =	stream.linear.scatter [tilespmem:s24], [sflag:$0x2], $0x80, $0x38;
	[tilespmem:$0x1E700] =	vst v63  }
0xdf: {  	s26 =	smov.u32 s23;
	s24 =	smov.u32 s25;
	p0 =	sne.s32 s23, $0xF80  }
.Ltmp6:
0xe0: {  	s23 =	sadd.s32 $0x80, s23;
	(pc) =	sbr.rel @p0 .LBB2_14-.Ltmp6, $2  }
0xe1: {  	_ =	sdelay $0x2  }
0xe2: {  	s25 =	sadd.s32 $0x100, s25;
	s26 =	sadd.s32 s26, s7  }
0xe3: {  	[hbm4b:s26+s1] =	stream.linear.scatter [tilespmem:s24], [sflag:$0x2], $0x80, $0x38;
	[tilespmem:$0x1E700] =	vst v63  }
0xe4: {  	_ =	swait.ge [sflag:s20], $0x1000  }
0xe5: {  	[sflag:s20] =	ssyncset.done $0x0  }
0xe6: {  	s23 =	simm.s32 $0x3070;
	[sflag:s20] =	ssyncadd.s32 $0xFFFFF000  }
0xe7: {  	v1 =	vld [tilespmem:s23+$0x0]  }
0xe8: {  	v2 =	vld [tilespmem:s23+$0xFFFFFFA0]  }
0xe9: {  	v3 =	vld [tilespmem:s23+$0xFFFFFFB0]  }
0xea: {  	v4 =	vld [tilespmem:s23+$0xFFFFFFC0]  }
0xeb: {  	v5 =	vld [tilespmem:s23+$0xFFFFFFD0]  }
0xec: {  	v7 =	vld [tilespmem:s23+$0xFFFFFFE0]  }
0xed: {  	v8 =	vld [tilespmem:s23+$0xFFFFFFF0]  }
0xee: {  	v9 =	vld [tilespmem:s23+$0xFFFFFF90]  }
0xef: {  	v10 =	vld.idx.msk [tilespmem:v1+s17+$0x0], $0xffff  }
0xf0: {  	v11 =	vld.idx.msk [tilespmem:v2+s17+$0x0], $0xffff  }
0xf1: {  	v6 =	vld.idx.msk [tilespmem:v3+s17+$0x0], $0xffff  }
0xf2: {  	v4 =	vld.idx.msk [tilespmem:v4+s17+$0x0], $0xffff  }
0xf3: {  	v1 =	vld.idx.msk [tilespmem:v5+s17+$0x0], $0xffff  }
0xf4: {  	s23 =	simm.s32 $0x1C7F0;
	v2 =	vld.idx.msk [tilespmem:v7+s17+$0x0], $0xffff  }
0xf5: {  	v3 =	vld.idx.msk [tilespmem:v8+s17+$0x0], $0xffff;
	[tilespmem:s23+$0x0] =	vst v10  }
0xf6: {  	s24 =	simm.s32 $0x0;
	s25 =	simm.s32 $0x30F0;
	v5 =	vld.idx.msk [tilespmem:v9+s17+$0x0], $0xffff;
	[tilespmem:s23+$0xFFFFFFA0] =	vst v11  }
.LBB2_16:
0xf7: {  	v7 =	vld [tilespmem:s25+$0x0];
	s24 =	sadd.s32 $0x8, s24;
	[tilespmem:s23+$0xFFFFFFB0] =	vst v6  }
0xf8: {  	v6 =	vld [tilespmem:s25+$0xFFFFFFA0];
	p0 =	slt.u32 s24, $0xF8;
	[tilespmem:s23+$0xFFFFFFC0] =	vst v4  }
0xf9: {  	v4 =	vld [tilespmem:s25+$0xFFFFFFB0];
	[tilespmem:s23+$0xFFFFFFD0] =	vst v1  }
0xfa: {  	v1 =	vld [tilespmem:s25+$0xFFFFFFC0];
	[tilespmem:s23+$0xFFFFFFE0] =	vst v2  }
0xfb: {  	v2 =	vld [tilespmem:s25+$0xFFFFFFD0];
	[tilespmem:s23+$0xFFFFFFF0] =	vst v3  }
0xfc: {  	v3 =	vld [tilespmem:s25+$0xFFFFFFE0];
	[tilespmem:s23+$0xFFFFFF90] =	vst v5  }
0xfd: {  	v5 =	vld [tilespmem:s25+$0xFFFFFFF0]  }
0xfe: {  	v8 =	vld [tilespmem:s25+$0xFFFFFF90]  }
0xff: {  	v7 =	vld.idx.msk [tilespmem:v7+s17+$0x0], $0xffff  }
0x100: {  	v9 =	vld.idx.msk [tilespmem:v6+s17+$0x0], $0xffff  }
0x101: {  	v6 =	vld.idx.msk [tilespmem:v4+s17+$0x0], $0xffff  }
.Ltmp7:
0x102: {  	v4 =	vld.idx.msk [tilespmem:v1+s17+$0x0], $0xffff;
	(pc) =	sbr.rel @p0 .LBB2_16-.Ltmp7, $4  }
0x103: {  	v1 =	vld.idx.msk [tilespmem:v2+s17+$0x0], $0xffff  }
0x104: {  	s23 =	sadd.s32 $0x100, s23;
	v2 =	vld.idx.msk [tilespmem:v3+s17+$0x0], $0xffff  }
0x105: {  	v3 =	vld.idx.msk [tilespmem:v5+s17+$0x0], $0xffff;
	[tilespmem:s23+$0x0] =	vst v7  }
0x106: {  	s25 =	sadd.s32 $0x80, s25;
	v5 =	vld.idx.msk [tilespmem:v8+s17+$0x0], $0xffff;
	[tilespmem:s23+$0xFFFFFFA0] =	vst v9  }
0x107: {  	[tilespmem:s23+$0xFFFFFFB0] =	vst v6  }
0x108: {  	[tilespmem:s23+$0xFFFFFFC0] =	vst v4  }
0x109: {  	[tilespmem:s23+$0xFFFFFFD0] =	vst v1  }
0x10a: {  	[tilespmem:s23+$0xFFFFFFE0] =	vst v2  }
0x10b: {  	s24 =	simm.s32 $0x1C780;
	[tilespmem:s23+$0xFFFFFFF0] =	vst v3  }
0x10c: {  	s26 =	sadd.s32 $0x0, s8;
	s25 =	simm.s32 $0x1C880;
	[tilespmem:s23+$0xFFFFFF90] =	vst v5;
	s23 =	simm.s32 $0x80  }
.LBB2_18:
0x10d: {  	[hbm4b:s26+s1] =	stream.linear.scatter [tilespmem:s24], [sflag:$0x2], $0x80, $0x38;
	[tilespmem:$0x1E700] =	vst v63  }
0x10e: {  	s26 =	smov.u32 s23;
	s24 =	smov.u32 s25;
	p0 =	sne.s32 s23, $0xF80  }
.Ltmp8:
0x10f: {  	s23 =	sadd.s32 $0x80, s23;
	(pc) =	sbr.rel @p0 .LBB2_18-.Ltmp8, $2  }
0x110: {  	_ =	sdelay $0x2  }
0x111: {  	s25 =	sadd.s32 $0x100, s25;
	s26 =	sadd.s32 s26, s8  }
0x112: {  	[hbm4b:s26+s1] =	stream.linear.scatter [tilespmem:s24], [sflag:$0x2], $0x80, $0x38;
	[tilespmem:$0x1E700] =	vst v63  }
0x113: {  	_ = 	snop  }
0x114: {  	[tilespmem:s17], [sflag:$0x4] =	stream.strided.gather [hbm4b:s9+s15], $0x18700, s16, s15, $0x38;
	[tilespmem:$0x1E700] =	vst v63  }
0x115: {  	_ =	swait.ge [sflag:s21], $0x18700  }
0x116: {  	[sflag:s21] =	ssyncset.done $0x0  }
0x117: {  	[sflag:s21] =	ssyncadd.s32 $0xFFFE7900  }
0x118: {  	_ =	swait.ge [sflag:s20], $0x1000  }
0x119: {  	[sflag:s20] =	ssyncset.done $0x0  }
0x11a: {  	s23 =	simm.s32 $0x40;
	[sflag:s20] =	ssyncadd.s32 $0xFFFFF000  }
0x11b: {  	v1 =	vld [tilespmem:s23+$0x30]  }
0x11c: {  	v2 =	vld [tilespmem:s23+$0xFFFFFFD0]  }
0x11d: {  	v3 =	vld [tilespmem:s23+$0xFFFFFFE0]  }
0x11e: {  	v4 =	vld [tilespmem:s23+$0xFFFFFFF0]  }
0x11f: {  	v5 =	vld [tilespmem:s23+$0x0]  }
0x120: {  	v7 =	vld [tilespmem:s23+$0x10]  }
0x121: {  	v8 =	vld [tilespmem:s23+$0x20]  }
0x122: {  	v9 =	vld [tilespmem:s23+$0xFFFFFFC0]  }
0x123: {  	v10 =	vld.idx.msk [tilespmem:v1+s17+$0x0], $0xffff  }
0x124: {  	v11 =	vld.idx.msk [tilespmem:v2+s17+$0x0], $0xffff  }
0x125: {  	v6 =	vld.idx.msk [tilespmem:v3+s17+$0x0], $0xffff  }
0x126: {  	v4 =	vld.idx.msk [tilespmem:v4+s17+$0x0], $0xffff  }
0x127: {  	v1 =	vld.idx.msk [tilespmem:v5+s17+$0x0], $0xffff  }
0x128: {  	s23 =	simm.s32 $0x1C740;
	v2 =	vld.idx.msk [tilespmem:v7+s17+$0x0], $0xffff  }
0x129: {  	v3 =	vld.idx.msk [tilespmem:v8+s17+$0x0], $0xffff;
	[tilespmem:s23+$0x30] =	vst v10  }
0x12a: {  	s24 =	simm.s32 $0x0;
	s25 =	simm.s32 $0xC0;
	v5 =	vld.idx.msk [tilespmem:v9+s17+$0x0], $0xffff;
	[tilespmem:s23+$0xFFFFFFD0] =	vst v11  }
.LBB2_20:
0x12b: {  	v7 =	vld [tilespmem:s25+$0x30];
	s24 =	sadd.s32 $0x8, s24;
	[tilespmem:s23+$0xFFFFFFE0] =	vst v6  }
0x12c: {  	v6 =	vld [tilespmem:s25+$0xFFFFFFD0];
	p0 =	slt.u32 s24, $0xF8;
	[tilespmem:s23+$0xFFFFFFF0] =	vst v4  }
0x12d: {  	v4 =	vld [tilespmem:s25+$0xFFFFFFE0];
	[tilespmem:s23+$0x0] =	vst v1  }
0x12e: {  	v1 =	vld [tilespmem:s25+$0xFFFFFFF0];
	[tilespmem:s23+$0x10] =	vst v2  }
0x12f: {  	v2 =	vld [tilespmem:s25+$0x0];
	[tilespmem:s23+$0x20] =	vst v3  }
0x130: {  	v3 =	vld [tilespmem:s25+$0x10];
	[tilespmem:s23+$0xFFFFFFC0] =	vst v5  }
0x131: {  	v5 =	vld [tilespmem:s25+$0x20]  }
0x132: {  	v8 =	vld [tilespmem:s25+$0xFFFFFFC0]  }
0x133: {  	v7 =	vld.idx.msk [tilespmem:v7+s17+$0x0], $0xffff  }
0x134: {  	v9 =	vld.idx.msk [tilespmem:v6+s17+$0x0], $0xffff  }
0x135: {  	v6 =	vld.idx.msk [tilespmem:v4+s17+$0x0], $0xffff  }
.Ltmp9:
0x136: {  	v4 =	vld.idx.msk [tilespmem:v1+s17+$0x0], $0xffff;
	(pc) =	sbr.rel @p0 .LBB2_20-.Ltmp9, $4  }
0x137: {  	v1 =	vld.idx.msk [tilespmem:v2+s17+$0x0], $0xffff  }
0x138: {  	s23 =	sadd.s32 $0x100, s23;
	v2 =	vld.idx.msk [tilespmem:v3+s17+$0x0], $0xffff  }
0x139: {  	v3 =	vld.idx.msk [tilespmem:v5+s17+$0x0], $0xffff;
	[tilespmem:s23+$0x30] =	vst v7  }
0x13a: {  	s25 =	sadd.s32 $0x80, s25;
	v5 =	vld.idx.msk [tilespmem:v8+s17+$0x0], $0xffff;
	[tilespmem:s23+$0xFFFFFFD0] =	vst v9  }
0x13b: {  	[tilespmem:s23+$0xFFFFFFE0] =	vst v6  }
0x13c: {  	[tilespmem:s23+$0xFFFFFFF0] =	vst v4  }
0x13d: {  	[tilespmem:s23+$0x0] =	vst v1  }
0x13e: {  	[tilespmem:s23+$0x10] =	vst v2  }
0x13f: {  	s24 =	simm.s32 $0x1C700;
	[tilespmem:s23+$0x20] =	vst v3  }
0x140: {  	s26 =	sadd.s32 $0x0, s10;
	s25 =	simm.s32 $0x1C800;
	[tilespmem:s23+$0xFFFFFFC0] =	vst v5;
	s23 =	simm.s32 $0x80  }
.LBB2_22:
0x141: {  	[hbm4b:s26+s1] =	stream.linear.scatter [tilespmem:s24], [sflag:$0x2], $0x80, $0x38;
	[tilespmem:$0x1E700] =	vst v63  }
0x142: {  	s26 =	smov.u32 s23;
	s24 =	smov.u32 s25;
	p0 =	sne.s32 s23, $0xF80  }
.Ltmp10:
0x143: {  	s23 =	sadd.s32 $0x80, s23;
	(pc) =	sbr.rel @p0 .LBB2_22-.Ltmp10, $2  }
0x144: {  	_ =	sdelay $0x2  }
0x145: {  	s25 =	sadd.s32 $0x100, s25;
	s26 =	sadd.s32 s26, s10  }
0x146: {  	[hbm4b:s26+s1] =	stream.linear.scatter [tilespmem:s24], [sflag:$0x2], $0x80, $0x38;
	[tilespmem:$0x1E700] =	vst v63  }
0x147: {  	_ =	swait.ge [sflag:s20], $0x1000  }
0x148: {  	[sflag:s20] =	ssyncset.done $0x0  }
0x149: {  	s23 =	simm.s32 $0x1070;
	[sflag:s20] =	ssyncadd.s32 $0xFFFFF000  }
0x14a: {  	v1 =	vld [tilespmem:s23+$0x0]  }
0x14b: {  	v2 =	vld [tilespmem:s23+$0xFFFFFFA0]  }
0x14c: {  	v3 =	vld [tilespmem:s23+$0xFFFFFFB0]  }
0x14d: {  	v4 =	vld [tilespmem:s23+$0xFFFFFFC0]  }
0x14e: {  	v5 =	vld [tilespmem:s23+$0xFFFFFFD0]  }
0x14f: {  	v7 =	vld [tilespmem:s23+$0xFFFFFFE0]  }
0x150: {  	v8 =	vld [tilespmem:s23+$0xFFFFFFF0]  }
0x151: {  	v9 =	vld [tilespmem:s23+$0xFFFFFF90]  }
0x152: {  	v10 =	vld.idx.msk [tilespmem:v1+s17+$0x0], $0xffff  }
0x153: {  	v11 =	vld.idx.msk [tilespmem:v2+s17+$0x0], $0xffff  }
0x154: {  	v6 =	vld.idx.msk [tilespmem:v3+s17+$0x0], $0xffff  }
0x155: {  	v4 =	vld.idx.msk [tilespmem:v4+s17+$0x0], $0xffff  }
0x156: {  	v1 =	vld.idx.msk [tilespmem:v5+s17+$0x0], $0xffff  }
0x157: {  	s23 =	simm.s32 $0x1C7F0;
	v2 =	vld.idx.msk [tilespmem:v7+s17+$0x0], $0xffff  }
0x158: {  	v3 =	vld.idx.msk [tilespmem:v8+s17+$0x0], $0xffff;
	[tilespmem:s23+$0x0] =	vst v10  }
0x159: {  	s24 =	simm.s32 $0x0;
	s25 =	simm.s32 $0x10F0;
	v5 =	vld.idx.msk [tilespmem:v9+s17+$0x0], $0xffff;
	[tilespmem:s23+$0xFFFFFFA0] =	vst v11  }
.LBB2_24:
0x15a: {  	v7 =	vld [tilespmem:s25+$0x0];
	s24 =	sadd.s32 $0x8, s24;
	[tilespmem:s23+$0xFFFFFFB0] =	vst v6  }
0x15b: {  	v6 =	vld [tilespmem:s25+$0xFFFFFFA0];
	p0 =	slt.u32 s24, $0xF8;
	[tilespmem:s23+$0xFFFFFFC0] =	vst v4  }
0x15c: {  	v4 =	vld [tilespmem:s25+$0xFFFFFFB0];
	[tilespmem:s23+$0xFFFFFFD0] =	vst v1  }
0x15d: {  	v1 =	vld [tilespmem:s25+$0xFFFFFFC0];
	[tilespmem:s23+$0xFFFFFFE0] =	vst v2  }
0x15e: {  	v2 =	vld [tilespmem:s25+$0xFFFFFFD0];
	[tilespmem:s23+$0xFFFFFFF0] =	vst v3  }
0x15f: {  	v3 =	vld [tilespmem:s25+$0xFFFFFFE0];
	[tilespmem:s23+$0xFFFFFF90] =	vst v5  }
0x160: {  	v5 =	vld [tilespmem:s25+$0xFFFFFFF0]  }
0x161: {  	v8 =	vld [tilespmem:s25+$0xFFFFFF90]  }
0x162: {  	v7 =	vld.idx.msk [tilespmem:v7+s17+$0x0], $0xffff  }
0x163: {  	v9 =	vld.idx.msk [tilespmem:v6+s17+$0x0], $0xffff  }
0x164: {  	v6 =	vld.idx.msk [tilespmem:v4+s17+$0x0], $0xffff  }
.Ltmp11:
0x165: {  	v4 =	vld.idx.msk [tilespmem:v1+s17+$0x0], $0xffff;
	(pc) =	sbr.rel @p0 .LBB2_24-.Ltmp11, $4  }
0x166: {  	v1 =	vld.idx.msk [tilespmem:v2+s17+$0x0], $0xffff  }
0x167: {  	s23 =	sadd.s32 $0x100, s23;
	v2 =	vld.idx.msk [tilespmem:v3+s17+$0x0], $0xffff  }
0x168: {  	v3 =	vld.idx.msk [tilespmem:v5+s17+$0x0], $0xffff;
	[tilespmem:s23+$0x0] =	vst v7  }
0x169: {  	s25 =	sadd.s32 $0x80, s25;
	v5 =	vld.idx.msk [tilespmem:v8+s17+$0x0], $0xffff;
	[tilespmem:s23+$0xFFFFFFA0] =	vst v9  }
0x16a: {  	[tilespmem:s23+$0xFFFFFFB0] =	vst v6  }
0x16b: {  	[tilespmem:s23+$0xFFFFFFC0] =	vst v4  }
0x16c: {  	[tilespmem:s23+$0xFFFFFFD0] =	vst v1  }
0x16d: {  	[tilespmem:s23+$0xFFFFFFE0] =	vst v2  }
0x16e: {  	s24 =	simm.s32 $0x1C780;
	[tilespmem:s23+$0xFFFFFFF0] =	vst v3  }
0x16f: {  	s26 =	sadd.s32 $0x0, s11;
	s25 =	simm.s32 $0x1C880;
	[tilespmem:s23+$0xFFFFFF90] =	vst v5;
	s23 =	simm.s32 $0x80  }
.LBB2_26:
0x170: {  	[hbm4b:s26+s1] =	stream.linear.scatter [tilespmem:s24], [sflag:$0x2], $0x80, $0x38;
	[tilespmem:$0x1E700] =	vst v63  }
0x171: {  	s26 =	smov.u32 s23;
	s24 =	smov.u32 s25;
	p0 =	sne.s32 s23, $0xF80  }
.Ltmp12:
0x172: {  	s23 =	sadd.s32 $0x80, s23;
	(pc) =	sbr.rel @p0 .LBB2_26-.Ltmp12, $2  }
0x173: {  	_ =	sdelay $0x2  }
0x174: {  	s25 =	sadd.s32 $0x100, s25;
	s26 =	sadd.s32 s26, s11  }
0x175: {  	[hbm4b:s26+s1] =	stream.linear.scatter [tilespmem:s24], [sflag:$0x2], $0x80, $0x38;
	[tilespmem:$0x1E700] =	vst v63  }
0x176: {  	_ =	swait.ge [sflag:s20], $0x1000  }
0x177: {  	[sflag:s20] =	ssyncset.done $0x0  }
0x178: {  	s23 =	simm.s32 $0x2070;
	[sflag:s20] =	ssyncadd.s32 $0xFFFFF000  }
0x179: {  	v1 =	vld [tilespmem:s23+$0x0]  }
0x17a: {  	v2 =	vld [tilespmem:s23+$0xFFFFFFA0]  }
0x17b: {  	v3 =	vld [tilespmem:s23+$0xFFFFFFB0]  }
0x17c: {  	v4 =	vld [tilespmem:s23+$0xFFFFFFC0]  }
0x17d: {  	v5 =	vld [tilespmem:s23+$0xFFFFFFD0]  }
0x17e: {  	v7 =	vld [tilespmem:s23+$0xFFFFFFE0]  }
0x17f: {  	v8 =	vld [tilespmem:s23+$0xFFFFFFF0]  }
0x180: {  	v9 =	vld [tilespmem:s23+$0xFFFFFF90]  }
0x181: {  	v10 =	vld.idx.msk [tilespmem:v1+s17+$0x0], $0xffff  }
0x182: {  	v11 =	vld.idx.msk [tilespmem:v2+s17+$0x0], $0xffff  }
0x183: {  	v6 =	vld.idx.msk [tilespmem:v3+s17+$0x0], $0xffff  }
0x184: {  	v4 =	vld.idx.msk [tilespmem:v4+s17+$0x0], $0xffff  }
0x185: {  	v1 =	vld.idx.msk [tilespmem:v5+s17+$0x0], $0xffff  }
0x186: {  	s23 =	simm.s32 $0x1C740;
	v2 =	vld.idx.msk [tilespmem:v7+s17+$0x0], $0xffff  }
0x187: {  	v3 =	vld.idx.msk [tilespmem:v8+s17+$0x0], $0xffff;
	[tilespmem:s23+$0x30] =	vst v10  }
0x188: {  	s24 =	simm.s32 $0x0;
	s25 =	simm.s32 $0x20F0;
	v5 =	vld.idx.msk [tilespmem:v9+s17+$0x0], $0xffff;
	[tilespmem:s23+$0xFFFFFFD0] =	vst v11  }
.LBB2_28:
0x189: {  	v7 =	vld [tilespmem:s25+$0x0];
	s24 =	sadd.s32 $0x8, s24;
	[tilespmem:s23+$0xFFFFFFE0] =	vst v6  }
0x18a: {  	v6 =	vld [tilespmem:s25+$0xFFFFFFA0];
	p0 =	slt.u32 s24, $0xF8;
	[tilespmem:s23+$0xFFFFFFF0] =	vst v4  }
0x18b: {  	v4 =	vld [tilespmem:s25+$0xFFFFFFB0];
	[tilespmem:s23+$0x0] =	vst v1  }
0x18c: {  	v1 =	vld [tilespmem:s25+$0xFFFFFFC0];
	[tilespmem:s23+$0x10] =	vst v2  }
0x18d: {  	v2 =	vld [tilespmem:s25+$0xFFFFFFD0];
	[tilespmem:s23+$0x20] =	vst v3  }
0x18e: {  	v3 =	vld [tilespmem:s25+$0xFFFFFFE0];
	[tilespmem:s23+$0xFFFFFFC0] =	vst v5  }
0x18f: {  	v5 =	vld [tilespmem:s25+$0xFFFFFFF0]  }
0x190: {  	v8 =	vld [tilespmem:s25+$0xFFFFFF90]  }
0x191: {  	v7 =	vld.idx.msk [tilespmem:v7+s17+$0x0], $0xffff  }
0x192: {  	v9 =	vld.idx.msk [tilespmem:v6+s17+$0x0], $0xffff  }
0x193: {  	v6 =	vld.idx.msk [tilespmem:v4+s17+$0x0], $0xffff  }
.Ltmp13:
0x194: {  	v4 =	vld.idx.msk [tilespmem:v1+s17+$0x0], $0xffff;
	(pc) =	sbr.rel @p0 .LBB2_28-.Ltmp13, $4  }
0x195: {  	v1 =	vld.idx.msk [tilespmem:v2+s17+$0x0], $0xffff  }
0x196: {  	s23 =	sadd.s32 $0x100, s23;
	v2 =	vld.idx.msk [tilespmem:v3+s17+$0x0], $0xffff  }
0x197: {  	v3 =	vld.idx.msk [tilespmem:v5+s17+$0x0], $0xffff;
	[tilespmem:s23+$0x30] =	vst v7  }
0x198: {  	s25 =	sadd.s32 $0x80, s25;
	v5 =	vld.idx.msk [tilespmem:v8+s17+$0x0], $0xffff;
	[tilespmem:s23+$0xFFFFFFD0] =	vst v9  }
0x199: {  	[tilespmem:s23+$0xFFFFFFE0] =	vst v6  }
0x19a: {  	[tilespmem:s23+$0xFFFFFFF0] =	vst v4  }
0x19b: {  	[tilespmem:s23+$0x0] =	vst v1  }
0x19c: {  	[tilespmem:s23+$0x10] =	vst v2  }
0x19d: {  	s24 =	simm.s32 $0x1C700;
	[tilespmem:s23+$0x20] =	vst v3  }
0x19e: {  	s26 =	sadd.s32 $0x0, s12;
	s25 =	simm.s32 $0x1C800;
	[tilespmem:s23+$0xFFFFFFC0] =	vst v5;
	s23 =	simm.s32 $0x80  }
.LBB2_30:
0x19f: {  	[hbm4b:s26+s1] =	stream.linear.scatter [tilespmem:s24], [sflag:$0x2], $0x80, $0x38;
	[tilespmem:$0x1E700] =	vst v63  }
0x1a0: {  	s26 =	smov.u32 s23;
	s24 =	smov.u32 s25;
	p0 =	sne.s32 s23, $0xF80  }
.Ltmp14:
0x1a1: {  	s23 =	sadd.s32 $0x80, s23;
	(pc) =	sbr.rel @p0 .LBB2_30-.Ltmp14, $2  }
0x1a2: {  	_ =	sdelay $0x2  }
0x1a3: {  	s25 =	sadd.s32 $0x100, s25;
	s26 =	sadd.s32 s26, s12  }
0x1a4: {  	[hbm4b:s26+s1] =	stream.linear.scatter [tilespmem:s24], [sflag:$0x2], $0x80, $0x38;
	[tilespmem:$0x1E700] =	vst v63  }
0x1a5: {  	_ =	swait.ge [sflag:s20], $0x1000  }
0x1a6: {  	[sflag:s20] =	ssyncset.done $0x0  }
0x1a7: {  	s23 =	simm.s32 $0x3070;
	[sflag:s20] =	ssyncadd.s32 $0xFFFFF000  }
0x1a8: {  	v1 =	vld [tilespmem:s23+$0x0]  }
0x1a9: {  	v2 =	vld [tilespmem:s23+$0xFFFFFFA0]  }
0x1aa: {  	v3 =	vld [tilespmem:s23+$0xFFFFFFB0]  }
0x1ab: {  	v4 =	vld [tilespmem:s23+$0xFFFFFFC0]  }
0x1ac: {  	v5 =	vld [tilespmem:s23+$0xFFFFFFD0]  }
0x1ad: {  	v7 =	vld [tilespmem:s23+$0xFFFFFFE0]  }
0x1ae: {  	v8 =	vld [tilespmem:s23+$0xFFFFFFF0]  }
0x1af: {  	v9 =	vld [tilespmem:s23+$0xFFFFFF90]  }
0x1b0: {  	v10 =	vld.idx.msk [tilespmem:v1+s17+$0x0], $0xffff  }
0x1b1: {  	v11 =	vld.idx.msk [tilespmem:v2+s17+$0x0], $0xffff  }
0x1b2: {  	v6 =	vld.idx.msk [tilespmem:v3+s17+$0x0], $0xffff  }
0x1b3: {  	v4 =	vld.idx.msk [tilespmem:v4+s17+$0x0], $0xffff  }
0x1b4: {  	v1 =	vld.idx.msk [tilespmem:v5+s17+$0x0], $0xffff  }
0x1b5: {  	s23 =	simm.s32 $0x1C7F0;
	v2 =	vld.idx.msk [tilespmem:v7+s17+$0x0], $0xffff  }
0x1b6: {  	v3 =	vld.idx.msk [tilespmem:v8+s17+$0x0], $0xffff;
	[tilespmem:s23+$0x0] =	vst v10  }
0x1b7: {  	s24 =	simm.s32 $0x0;
	s25 =	simm.s32 $0x30F0;
	v5 =	vld.idx.msk [tilespmem:v9+s17+$0x0], $0xffff;
	[tilespmem:s23+$0xFFFFFFA0] =	vst v11  }
.LBB2_32:
0x1b8: {  	v7 =	vld [tilespmem:s25+$0x0];
	s24 =	sadd.s32 $0x8, s24;
	[tilespmem:s23+$0xFFFFFFB0] =	vst v6  }
0x1b9: {  	v6 =	vld [tilespmem:s25+$0xFFFFFFA0];
	p0 =	slt.u32 s24, $0xF8;
	[tilespmem:s23+$0xFFFFFFC0] =	vst v4  }
0x1ba: {  	v4 =	vld [tilespmem:s25+$0xFFFFFFB0];
	[tilespmem:s23+$0xFFFFFFD0] =	vst v1  }
0x1bb: {  	v1 =	vld [tilespmem:s25+$0xFFFFFFC0];
	[tilespmem:s23+$0xFFFFFFE0] =	vst v2  }
0x1bc: {  	v2 =	vld [tilespmem:s25+$0xFFFFFFD0];
	[tilespmem:s23+$0xFFFFFFF0] =	vst v3  }
0x1bd: {  	v3 =	vld [tilespmem:s25+$0xFFFFFFE0];
	[tilespmem:s23+$0xFFFFFF90] =	vst v5  }
0x1be: {  	v5 =	vld [tilespmem:s25+$0xFFFFFFF0]  }
0x1bf: {  	v8 =	vld [tilespmem:s25+$0xFFFFFF90]  }
0x1c0: {  	v7 =	vld.idx.msk [tilespmem:v7+s17+$0x0], $0xffff  }
0x1c1: {  	v9 =	vld.idx.msk [tilespmem:v6+s17+$0x0], $0xffff  }
0x1c2: {  	v6 =	vld.idx.msk [tilespmem:v4+s17+$0x0], $0xffff  }
.Ltmp15:
0x1c3: {  	v4 =	vld.idx.msk [tilespmem:v1+s17+$0x0], $0xffff;
	(pc) =	sbr.rel @p0 .LBB2_32-.Ltmp15, $4  }
0x1c4: {  	v1 =	vld.idx.msk [tilespmem:v2+s17+$0x0], $0xffff  }
0x1c5: {  	s23 =	sadd.s32 $0x100, s23;
	v2 =	vld.idx.msk [tilespmem:v3+s17+$0x0], $0xffff  }
0x1c6: {  	v3 =	vld.idx.msk [tilespmem:v5+s17+$0x0], $0xffff;
	[tilespmem:s23+$0x0] =	vst v7  }
0x1c7: {  	s25 =	sadd.s32 $0x80, s25;
	v5 =	vld.idx.msk [tilespmem:v8+s17+$0x0], $0xffff;
	[tilespmem:s23+$0xFFFFFFA0] =	vst v9  }
0x1c8: {  	[tilespmem:s23+$0xFFFFFFB0] =	vst v6  }
0x1c9: {  	[tilespmem:s23+$0xFFFFFFC0] =	vst v4  }
0x1ca: {  	[tilespmem:s23+$0xFFFFFFD0] =	vst v1  }
0x1cb: {  	[tilespmem:s23+$0xFFFFFFE0] =	vst v2  }
0x1cc: {  	s24 =	simm.s32 $0x1C780;
	[tilespmem:s23+$0xFFFFFFF0] =	vst v3  }
0x1cd: {  	s26 =	sadd.s32 $0x0, s13;
	s25 =	simm.s32 $0x1C880;
	[tilespmem:s23+$0xFFFFFF90] =	vst v5;
	s23 =	simm.s32 $0x80  }
.LBB2_34:
0x1ce: {  	[hbm4b:s26+s1] =	stream.linear.scatter [tilespmem:s24], [sflag:$0x2], $0x80, $0x38;
	[tilespmem:$0x1E700] =	vst v63  }
0x1cf: {  	s26 =	smov.u32 s23;
	s24 =	smov.u32 s25;
	p0 =	sne.s32 s23, $0xF80  }
.Ltmp16:
0x1d0: {  	s23 =	sadd.s32 $0x80, s23;
	(pc) =	sbr.rel @p0 .LBB2_34-.Ltmp16, $2  }
0x1d1: {  	_ =	sdelay $0x2  }
0x1d2: {  	s25 =	sadd.s32 $0x100, s25;
	s26 =	sadd.s32 s26, s13  }
0x1d3: {  	[hbm4b:s26+s1] =	stream.linear.scatter [tilespmem:s24], [sflag:$0x2], $0x80, $0x38;
	[tilespmem:$0x1E700] =	vst v63  }
0x1d4: {  	s22 =	sadd.s32 $0x1, s22  }
0x1d5: {  	_ =	swait.ge [sflag:s20], $0x1000;
	p0 =	sne.s32 s22, s14  }
.Ltmp17:
0x1d6: {  	[sflag:s20] =	ssyncset.done $0x0;
	(pc) =	sbr.rel @p0 .LBB2_1-.Ltmp17, $4  }
0x1d7: {  	[sflag:s20] =	ssyncadd.s32 $0xFFFFF000  }
0x1d8: {  	_ =	swait.ge [sflag:s20], $0x1000  }
0x1d9: {  	[sflag:s20] =	ssyncset.done $0x0  }
0x1da: {  	[sflag:s20] =	ssyncadd.s32 $0xFFFFF000  }
0x1db: {  	_ =	sfence.sel $0x180000  }
0x1dc: {  	[bflag:$0x0] =	sbarrier.arrive $0xFFFF  }
0x1dd: {  	p0 =	sne.s32 s2, $0x0;
	_ =	strace $0x90000047  }
0x1de: {  	s0 =	sadd.s32 @!p0 $0x100000, s0;
	[bflag:$0x2] =	sbarrier.arrive $0xFFFF  }
0x1df: {  	[sflag:s0] =	ssyncadd.tile.s32 @!p0 $0x1;
	_ =	shalt  }
.Lfunc_end2:
_tile_overlayer_lowered:
.L_overlay_start_2:
0x1e0: {  	(tag) =	ssettag $0x2  }
0x1e1: {  	s0 =	rddreg [dreg:$0x0];
	s2 =	stileid.u32  }
0x1e2: {  	s1 =	rddreg [dreg:$0x1];
	p0 =	sne.s32 s2, $0x0  }
0x1e3: {  	s3 =	rddreg [dreg:$0x2];
	[bflag:$0x3] =	sbarrier.arrive $0xFFFF;
	s2 =	simm.s32 @!p0 $0x1C04  }
0x1e4: {  	[timem:s3], [sflag:s2] =	dma.local @!p0 [hbm:s0], s1  }
0x1e5: {  	s0 =	simm.s32 @!p0 $0x4  }
0x1e6: {  	_ =	swait.ge @!p0 [sflag:s0], s1  }
0x1e7: {  	s1 =	ssub.s32 @!p0 $0x0, s1;
	[sflag:s0] =	ssyncset.done @!p0 $0x0  }
0x1e8: {  	[sflag:s0] =	ssyncadd.s32 @!p0 s1  }
0x1e9: {  	[bflag:$0x3] =	sbarrier.arrive $0xFFFF  }
0x1ea: {  	_ =	shalt  }

</sc_bundles>
